<compile_context>
chip_gen: v7x
topology: tpu7x:2x2x1
jax: 0.10.2.dev20260603
libtpu: 0.0.44.dev20260713+nightly
codegen_flags: <defaults>
</compile_context>

<pallas_src>
import dataclasses
import functools

import jax
import jax.numpy as jnp
from jax import lax
from jax.experimental import pallas as pl
from jax.experimental.pallas import tpu as pltpu
from jax.experimental.pallas import tpu_sc as plsc

NC, NS, L = 2, 16, 16
NW = NC * NS


def _tables_body(ft_ref, st_ref, wsrc_ref, wdst_ref, bsrc_ref,
                 tsrc_ref, tdst_ref):
    x = jnp.concatenate([ft_ref[...], st_ref[...]], axis=1)
    tsrc_ref[...] = (
        jnp.dot(x, wsrc_ref[...], preferred_element_type=jnp.float32)
        + bsrc_ref[...])
    tdst_ref[...] = jnp.dot(x, wdst_ref[...],
                            preferred_element_type=jnp.float32)


def _combine_body(v0_ref, v1_ref, d_ref, o_ref):
    den = jnp.sum(d_ref[...], axis=0)[:, None] + 1e-16
    o_ref[...] = (v0_ref[...] + v1_ref[...]) / den


def _make_sc_kernel(n_pad, e_total, d, c):
    n_chunks = e_total // c
    per_w = -(-n_chunks // NW)
    rows_w = n_pad // NS
    mesh = plsc.VectorSubcoreMesh(core_axis_name="c", subcore_axis_name="s")
    cp = pltpu.CompilerParams()
    if "needs_layout_passes" in pltpu.CompilerParams.__dataclass_fields__:
        cp = dataclasses.replace(cp, needs_layout_passes=False)

    @functools.partial(
        pl.kernel,
        compiler_params=cp,
        out_type=(jax.ShapeDtypeStruct((NC, n_pad, d), jnp.float32),
                  jax.ShapeDtypeStruct((NW, n_pad), jnp.float32)),
        mesh=mesh,
        scratch_types=[
            pltpu.VMEM((3 * c,), jnp.int32),
            pltpu.VMEM((c,), jnp.int32),
            pltpu.VMEM((c, 128), jnp.float32),
            pltpu.VMEM((c, 128), jnp.float32),
            pltpu.VMEM((c, d), jnp.float32),
            pltpu.VMEM((c, L), jnp.float32),
            pltpu.VMEM((n_pad,), jnp.float32),
            pltpu.VMEM((L,), jnp.float32),
            pltpu.VMEM((L,), jnp.float32),
            pltpu.VMEM_SHARED((n_pad, d), jnp.float32),
            pltpu.SemaphoreType.DMA,
            pltpu.SemaphoreType.DMA,
            pltpu.SemaphoreType.DMA,
        ],
    )
    def sc_edges(tsrc_hbm, tdst_hbm, st_hbm, packed_hbm,
                 w2_hbm, w1d_hbm, accv_hbm, accd_hbm,
                 ebuf, dsts, tsv, tdv, strow, exbuf, denv, w2v, w1dv,
                 accv_sp, sem, sem2, isem):
        cid = lax.axis_index("c")
        sid = lax.axis_index("s")
        wid = sid * NC + cid

        pltpu.sync_copy(w2_hbm, w2v)
        pltpu.sync_copy(w1d_hbm, w1dv)

        zero_v = jnp.zeros((L,), jnp.float32)
        lane_i = lax.iota(jnp.int32, L)

        @pl.loop(0, n_pad, step=L)
        def _(r):
            denv[pl.ds(r, L)] = zero_v

        @pl.loop(0, c)
        def _(e):
            for j in range(d // L):
                strow[e, L * j:L * (j + 1)] = zero_v

        @pl.loop(0, rows_w // c)
        def _(k):
            r0 = sid * rows_w + k * c
            pltpu.sync_copy(strow, accv_sp.at[pl.ds(r0, c)])

        plsc.subcore_barrier()

        col_p = jnp.full((L,), 16, jnp.int32)
        w1d_v = w1dv[...]
        w2_v = w2v[...]
        zero_i = jnp.zeros((L,), jnp.int32)
        dcol = jnp.full((L,), 2 * c, jnp.int32)

        pltpu.async_copy(packed_hbm.at[pl.ds(wid * 3 * c, 3 * c)], ebuf,
                         isem)

        @pl.loop(0, per_w)
        def _(i):
            k = wid + i * NW

            @pl.when(k < n_chunks)
            def _():
                pltpu.make_async_copy(packed_hbm.at[pl.ds(0, 3 * c)], ebuf,
                                      isem).wait()
                src_ix = ebuf.at[pl.ds(0, c)]
                dst_ix = ebuf.at[pl.ds(c, c)]
                g3 = pltpu.async_copy(st_hbm.at[src_ix], strow, sem2)
                g1 = pltpu.async_copy(tsrc_hbm.at[src_ix], tsv, sem)
                g2 = pltpu.async_copy(tdst_hbm.at[dst_ix], tdv, sem)
                g1.wait()
                g2.wait()

                @plsc.parallel_loop(0, c, unroll=4)
                def _(e):
                    ev = jnp.full((L,), e, jnp.int32)
                    ts0 = tsv[e, 0:L]
                    td0 = tdv[e, 0:L]
                    dv = plsc.bitcast(plsc.load_gather(ebuf, [dcol + ev]),
                                      jnp.float32)
                    h = jnp.maximum(ts0 + td0 + dv * w1d_v, 0.0)
                    bias = jnp.sum(h * w2_v)
                    pv = plsc.load_gather(tsv, [ev, col_p])
                    qv = plsc.load_gather(tdv, [ev, col_p])
                    logit = pv + qv + bias
                    logit = jnp.where(logit >= 0.0, logit, 0.2 * logit)
                    exbuf[e, 0:L] = jnp.exp(logit)

                g3.wait()

                for g in range(c // L):
                    dsts[pl.ds(g * L, L)] = ebuf[pl.ds(c + g * L, L)]

                kn = k + NW

                @pl.when(kn < n_chunks)
                def _():
                    pltpu.async_copy(
                        packed_hbm.at[pl.ds(kn * 3 * c, 3 * c)], ebuf, isem)

                @plsc.parallel_loop(0, c, unroll=2)
                def _(e):
                    ex = exbuf[e, 0:L]
                    for j in range(d // L):
                        sl = pl.ds(L * j, L)
                        strow[e, sl] = strow[e, sl] * ex

                s1 = pltpu.async_copy(strow, accv_sp.at[dsts], sem,
                                      add=True)

                @pl.loop(0, c, step=L)
                def _(g):
                    ev16 = lane_i + g
                    exv = plsc.load_gather(exbuf, [ev16, zero_i])
                    dstv = dsts[pl.ds(g, L)]
                    plsc.addupdate_scatter(denv, [dstv], exv)

                s1.wait()

        plsc.subcore_barrier()

        @pl.loop(0, rows_w // c)
        def _(k):
            r0 = sid * rows_w + k * c
            pltpu.sync_copy(accv_sp.at[pl.ds(r0, c)],
                            accv_hbm.at[cid, pl.ds(r0, c)])
        pltpu.sync_copy(denv, accd_hbm.at[wid])

    return sc_edges


def kernel(state, feature, edge_index, edge_dist, a_src, a_dst, W1, b1,
           W2, b2):
    b, n, d = state.shape
    f = feature.shape[1]
    e_total = edge_index.shape[1]
    h1 = W1.shape[1]
    assert b == 1 and h1 == L and d % L == 0

    n_pad = -(-n // (NS * 128)) * (NS * 128)
    c = 64

    st = state[0]
    st_p = jnp.pad(st, ((0, n_pad - n), (0, 0)))
    ft_p = jnp.pad(feature, ((0, n_pad - n), (0, 0)))

    wsrc = jnp.zeros((f + d, 128), jnp.float32)
    wsrc = wsrc.at[:f, :h1].set(W1[:f])
    wsrc = wsrc.at[f:, 16].set(a_src)
    wdst = jnp.zeros((f + d, 128), jnp.float32)
    wdst = wdst.at[:f, :h1].set(W1[f:2 * f])
    wdst = wdst.at[f:, 16].set(a_dst)
    bsrc = jnp.zeros((1, 128), jnp.float32)
    bsrc = bsrc.at[0, :h1].set(b1)
    bsrc = bsrc.at[0, 16].set(b2[0])

    tn = 512
    tsrc, tdst = pl.pallas_call(
        _tables_body,
        grid=(n_pad // tn,),
        in_specs=[
            pl.BlockSpec((tn, f), lambda i: (i, 0)),
            pl.BlockSpec((tn, d), lambda i: (i, 0)),
            pl.BlockSpec((f + d, 128), lambda i: (0, 0)),
            pl.BlockSpec((f + d, 128), lambda i: (0, 0)),
            pl.BlockSpec((1, 128), lambda i: (0, 0)),
        ],
        out_specs=[
            pl.BlockSpec((tn, 128), lambda i: (i, 0)),
            pl.BlockSpec((tn, 128), lambda i: (i, 0)),
        ],
        out_shape=[
            jax.ShapeDtypeStruct((n_pad, 128), jnp.float32),
            jax.ShapeDtypeStruct((n_pad, 128), jnp.float32),
        ],
    )(ft_p, st_p, wsrc, wdst, bsrc)

    src = edge_index[0].astype(jnp.int32).reshape(-1, c)
    dst = edge_index[1].astype(jnp.int32).reshape(-1, c)
    db = jax.lax.bitcast_convert_type(edge_dist[:, 0],
                                      jnp.int32).reshape(-1, c)
    packed = jnp.concatenate([src, dst, db], axis=1).reshape(-1)

    w1d = W1[2 * f]
    w2v = W2[:, 0]

    sc = _make_sc_kernel(n_pad, e_total, d, c)
    accv, accd = sc(tsrc, tdst, st_p, packed, w2v, w1d)

    tc = 512
    out = pl.pallas_call(
        _combine_body,
        grid=(n_pad // tc,),
        in_specs=[
            pl.BlockSpec((tc, d), lambda i: (i, 0)),
            pl.BlockSpec((tc, d), lambda i: (i, 0)),
            pl.BlockSpec((NW, tc), lambda i: (0, i)),
        ],
        out_specs=pl.BlockSpec((tc, d), lambda i: (i, 0)),
        out_shape=jax.ShapeDtypeStruct((n_pad, d), jnp.float32),
    )(accv[0], accv[1], accd)

    return out[None, :n]

# --- scband reference (transcript-rebuilt; emitter-appended) ---
"""Pipeline reference for scband-graph-att-net-47974784696684 (READ-ONLY COPY).

The authoritative reference and input builder live on the scoring server;
editing this copy changes nothing except your own understanding.
"""

import jax, jax.numpy as jnp
import numpy as np

N = 10000
E = 160000
D = 128   # hid_size
F = 128   # feat_size
B = 1
H1 = 16   # meta_hiddens[0]


def setup_inputs(seed: int = 0) -> dict:
    key = jax.random.key(seed)
    ks = jax.random.split(key, 10)
    state = jax.random.normal(ks[0], (B, N, D), dtype=jnp.float32)
    feature = jax.random.normal(ks[1], (N, F), dtype=jnp.float32)
    edge_index = jax.random.randint(ks[2], (2, E), 0, N)
    edge_dist = jax.random.uniform(ks[3], (E, 1), dtype=jnp.float32)
    # learned parameters: GAT-style attention vectors + meta-MLP over (f_src, f_dst, dist)
    a_src = jax.random.normal(ks[4], (D,), dtype=jnp.float32) * 0.1
    a_dst = jax.random.normal(ks[5], (D,), dtype=jnp.float32) * 0.1
    W1 = jax.random.normal(ks[6], (2 * F + 1, H1), dtype=jnp.float32) * 0.1
    b1 = jnp.zeros((H1,), dtype=jnp.float32)
    W2 = jax.random.normal(ks[7], (H1, 1), dtype=jnp.float32) * 0.1
    b2 = jnp.zeros((1,), dtype=jnp.float32)
    return {"state": state, "feature": feature, "edge_index": edge_index,
            "edge_dist": edge_dist, "a_src": a_src, "a_dst": a_dst,
            "W1": W1, "b1": b1, "W2": W2, "b2": b2}


def reference(state, feature, edge_index, edge_dist, a_src, a_dst, W1, b1, W2, b2):
    src = edge_index[0]
    dst = edge_index[1]
    # mirror original: move node axis to front -> [N, B, D]
    st = jnp.swapaxes(state, 0, 1)
    # msg_edge: gather endpoint states/features (DGL edge batch)
    s_src = jnp.take(st, src, axis=0)        # [E, B, D]
    s_dst = jnp.take(st, dst, axis=0)        # [E, B, D]
    f_src = jnp.take(feature, src, axis=0)   # [E, F]
    f_dst = jnp.take(feature, dst, axis=0)   # [E, F]
    meta_in = jnp.concatenate([f_src, f_dst, edge_dist], axis=-1)  # [E, 2F+1]
    h = jax.nn.relu(meta_in @ W1 + b1)
    edge_bias = h @ W2 + b2                  # [E, 1]
    logit = jax.nn.leaky_relu(
        (s_src * a_src).sum(-1) + (s_dst * a_dst).sum(-1) + edge_bias, 0.2)  # [E, B]
    # msg_reduce: softmax over incoming edges per dst node (segment softmax)
    m = jax.ops.segment_max(logit, dst, num_segments=N)
    ex = jnp.exp(logit - jnp.take(m, dst, axis=0))
    denom = jax.ops.segment_sum(ex, dst, num_segments=N)
    alpha = ex / (jnp.take(denom, dst, axis=0) + 1e-16)  # [E, B]
    msg = alpha[..., None] * s_src                        # [E, B, D]
    new_state = jax.ops.segment_sum(msg, dst, num_segments=N)  # [N, B, D]
    return jnp.swapaxes(new_state, 0, 1)  # [B, N, D]

if __name__ == "__main__":
    import jax
    _d = setup_inputs()
    print(jax.jit(kernel)(*tuple(_d.values())))

</pallas_src>

<mosaic_0001>
#map = affine_map<(d0, d1) -> (0, 0)>
#map1 = affine_map<(d0, d1) -> (0)>
#map2 = affine_map<(d0, d1) -> (0, 0, 0)>
module attributes {stable_mosaic.version = 14 : i64} {
  func.func @sc_edges(%arg0: i32, %arg1: i32, %arg2: memref<10240x128xf32, #tpu.memory_space<hbm>>, %arg3: memref<10240x128xf32, #tpu.memory_space<hbm>>, %arg4: memref<10240x128xf32, #tpu.memory_space<hbm>>, %arg5: memref<480000xi32, #tpu.memory_space<hbm>>, %arg6: memref<16xf32, #tpu.memory_space<hbm>>, %arg7: memref<16xf32, #tpu.memory_space<hbm>>, %arg8: memref<2x10240x128xf32, #tpu.memory_space<hbm>>, %arg9: memref<32x10240xf32, #tpu.memory_space<hbm>>, %arg10: memref<192xi32, #tpu.memory_space<vmem>>, %arg11: memref<64xi32, #tpu.memory_space<vmem>>, %arg12: memref<64x128xf32, #tpu.memory_space<vmem>>, %arg13: memref<64x128xf32, #tpu.memory_space<vmem>>, %arg14: memref<64x128xf32, #tpu.memory_space<vmem>>, %arg15: memref<64x16xf32, #tpu.memory_space<vmem>>, %arg16: memref<10240xf32, #tpu.memory_space<vmem>>, %arg17: memref<16xf32, #tpu.memory_space<vmem>>, %arg18: memref<16xf32, #tpu.memory_space<vmem>>, %arg19: memref<10240x128xf32, #tpu.memory_space<vmem_shared>>, %arg20: memref<!tpu.dma_semaphore, #tpu.memory_space<semaphore_mem>>, %arg21: memref<!tpu.dma_semaphore, #tpu.memory_space<semaphore_mem>>, %arg22: memref<!tpu.dma_semaphore, #tpu.memory_space<semaphore_mem>>) attributes {dimension_semantics = [#tpu.dimension_semantics<core_parallel>, #tpu.dimension_semantics<subcore_parallel>], iteration_bounds = array<i64: 2, 16>, scalar_prefetch = 0 : i64, scratch_operands = 13 : i64, tpu.core_type = #tpu.core_type<sc_vector_subcore>, window_params = [{transform_indices = #map}, {transform_indices = #map}, {transform_indices = #map}, {transform_indices = #map1}, {transform_indices = #map1}, {transform_indices = #map1}, {transform_indices = #map2}, {transform_indices = #map}]} {
    %mul3A = arith.constant 2 : i32
    %mul3A_0 = arith.muli %arg1, %mul3A : i32
    %add3A = arith.addi %mul3A_0, %arg0 : i32
    "tpu.region"() ({
      %run_scoped3A = tpu.sem_alloc : memref<!tpu.dma_semaphore, #tpu.memory_space<semaphore_mem>>
      tpu.enqueue_dma source(%arg6 : memref<16xf32, #tpu.memory_space<hbm>>) target(%arg17 : memref<16xf32, #tpu.memory_space<vmem>>) target_semaphore(%run_scoped3A : memref<!tpu.dma_semaphore, #tpu.memory_space<semaphore_mem>>)
      tpu.wait_dma2 semaphore(%run_scoped3A : memref<!tpu.dma_semaphore, #tpu.memory_space<semaphore_mem>>) src(%arg6 : memref<16xf32, #tpu.memory_space<hbm>>) dst(%arg17 : memref<16xf32, #tpu.memory_space<vmem>>)
      tpu.yield
    }) : () -> ()
    "tpu.region"() ({
      %run_scoped3A = tpu.sem_alloc : memref<!tpu.dma_semaphore, #tpu.memory_space<semaphore_mem>>
      tpu.enqueue_dma source(%arg7 : memref<16xf32, #tpu.memory_space<hbm>>) target(%arg18 : memref<16xf32, #tpu.memory_space<vmem>>) target_semaphore(%run_scoped3A : memref<!tpu.dma_semaphore, #tpu.memory_space<semaphore_mem>>)
      tpu.wait_dma2 semaphore(%run_scoped3A : memref<!tpu.dma_semaphore, #tpu.memory_space<semaphore_mem>>) src(%arg7 : memref<16xf32, #tpu.memory_space<hbm>>) dst(%arg18 : memref<16xf32, #tpu.memory_space<vmem>>)
      tpu.yield
    }) : () -> ()
    %broadcast_in_dim3A = arith.constant 0.000000e+00 : f32
    %broadcast_in_dim3A_1 = vector.broadcast %broadcast_in_dim3A : f32 to vector<16xf32>
    %iota3A = tpu.iota {dimensions = array<i32: 0>} : vector<16xi32>
    %scan3A = arith.constant 0 : i32
    %scan3A_2 = arith.constant 640 : i32
    %scan3A_3 = arith.addi %scan3A, %scan3A_2 : i32
    %scan3A_4 = arith.constant 1 : i32
    scf.for %scan3A_41 = %scan3A to %scan3A_3 step %scan3A_4  : i32 {
      %mul3A_42 = arith.constant 16 : i32
      %mul3A_43 = arith.muli %scan3A_41, %mul3A_42 : i32
      %add3A_44 = arith.constant 0 : i32
      %add3A_45 = arith.addi %add3A_44, %mul3A_43 : i32
      %swap3A = arith.index_cast %add3A_45 : i32 to index
      %swap3A_46 = tpu.vector_load %arg16[%swap3A] {strides = array<i32>} : memref<10240xf32, #tpu.memory_space<vmem>>, vector<16xf32>,
      tpu.vector_store %arg16[%swap3A], %broadcast_in_dim3A_1 {strides = array<i32>} : memref<10240xf32, #tpu.memory_space<vmem>>, vector<16xf32>,
    }
    %scan3A_5 = arith.constant 640 : i32
    %scan3A_6 = arith.constant 0 : i32
    %scan3A_7 = arith.constant 64 : i32
    %scan3A_8 = arith.addi %scan3A_6, %scan3A_7 : i32
    %scan3A_9 = arith.constant 1 : i32
    scf.for %scan3A_41 = %scan3A_6 to %scan3A_8 step %scan3A_9  : i32 {
      %mul3A_42 = arith.constant 1 : i32
      %mul3A_43 = arith.muli %scan3A_41, %mul3A_42 : i32
      %add3A_44 = arith.constant 0 : i32
      %add3A_45 = arith.addi %add3A_44, %mul3A_43 : i32
      %swap3A = arith.index_cast %add3A_45 : i32 to index
      %swap3A_46 = arith.constant 0 : index
      %swap3A_47 = tpu.vector_load %arg14[%swap3A, %swap3A_46] {strides = array<i32>} : memref<64x128xf32, #tpu.memory_space<vmem>>, vector<16xf32>,
      tpu.vector_store %arg14[%swap3A, %swap3A_46], %broadcast_in_dim3A_1 {strides = array<i32>} : memref<64x128xf32, #tpu.memory_space<vmem>>, vector<16xf32>,
      %swap3A_48 = arith.index_cast %add3A_45 : i32 to index
      %swap3A_49 = arith.constant 16 : index
      %swap3A_50 = tpu.vector_load %arg14[%swap3A_48, %swap3A_49] {strides = array<i32>} : memref<64x128xf32, #tpu.memory_space<vmem>>, vector<16xf32>,
      tpu.vector_store %arg14[%swap3A_48, %swap3A_49], %broadcast_in_dim3A_1 {strides = array<i32>} : memref<64x128xf32, #tpu.memory_space<vmem>>, vector<16xf32>,
      %swap3A_51 = arith.index_cast %add3A_45 : i32 to index
      %swap3A_52 = arith.constant 32 : index
      %swap3A_53 = tpu.vector_load %arg14[%swap3A_51, %swap3A_52] {strides = array<i32>} : memref<64x128xf32, #tpu.memory_space<vmem>>, vector<16xf32>,
      tpu.vector_store %arg14[%swap3A_51, %swap3A_52], %broadcast_in_dim3A_1 {strides = array<i32>} : memref<64x128xf32, #tpu.memory_space<vmem>>, vector<16xf32>,
      %swap3A_54 = arith.index_cast %add3A_45 : i32 to index
      %swap3A_55 = arith.constant 48 : index
      %swap3A_56 = tpu.vector_load %arg14[%swap3A_54, %swap3A_55] {strides = array<i32>} : memref<64x128xf32, #tpu.memory_space<vmem>>, vector<16xf32>,
      tpu.vector_store %arg14[%swap3A_54, %swap3A_55], %broadcast_in_dim3A_1 {strides = array<i32>} : memref<64x128xf32, #tpu.memory_space<vmem>>, vector<16xf32>,
      %swap3A_57 = arith.index_cast %add3A_45 : i32 to index
      %swap3A_58 = arith.constant 64 : index
      %swap3A_59 = tpu.vector_load %arg14[%swap3A_57, %swap3A_58] {strides = array<i32>} : memref<64x128xf32, #tpu.memory_space<vmem>>, vector<16xf32>,
      tpu.vector_store %arg14[%swap3A_57, %swap3A_58], %broadcast_in_dim3A_1 {strides = array<i32>} : memref<64x128xf32, #tpu.memory_space<vmem>>, vector<16xf32>,
      %swap3A_60 = arith.index_cast %add3A_45 : i32 to index
      %swap3A_61 = arith.constant 80 : index
      %swap3A_62 = tpu.vector_load %arg14[%swap3A_60, %swap3A_61] {strides = array<i32>} : memref<64x128xf32, #tpu.memory_space<vmem>>, vector<16xf32>,
      tpu.vector_store %arg14[%swap3A_60, %swap3A_61], %broadcast_in_dim3A_1 {strides = array<i32>} : memref<64x128xf32, #tpu.memory_space<vmem>>, vector<16xf32>,
      %swap3A_63 = arith.index_cast %add3A_45 : i32 to index
      %swap3A_64 = arith.constant 96 : index
      %swap3A_65 = tpu.vector_load %arg14[%swap3A_63, %swap3A_64] {strides = array<i32>} : memref<64x128xf32, #tpu.memory_space<vmem>>, vector<16xf32>,
      tpu.vector_store %arg14[%swap3A_63, %swap3A_64], %broadcast_in_dim3A_1 {strides = array<i32>} : memref<64x128xf32, #tpu.memory_space<vmem>>, vector<16xf32>,
      %swap3A_66 = arith.index_cast %add3A_45 : i32 to index
      %swap3A_67 = arith.constant 112 : index
      %swap3A_68 = tpu.vector_load %arg14[%swap3A_66, %swap3A_67] {strides = array<i32>} : memref<64x128xf32, #tpu.memory_space<vmem>>, vector<16xf32>,
      tpu.vector_store %arg14[%swap3A_66, %swap3A_67], %broadcast_in_dim3A_1 {strides = array<i32>} : memref<64x128xf32, #tpu.memory_space<vmem>>, vector<16xf32>,
    }
    %scan3A_10 = arith.constant 64 : i32
    %scan3A_11 = arith.constant 0 : i32
    %scan3A_12 = arith.constant 10 : i32
    %scan3A_13 = arith.addi %scan3A_11, %scan3A_12 : i32
    %scan3A_14 = arith.constant 1 : i32
    scf.for %scan3A_41 = %scan3A_11 to %scan3A_13 step %scan3A_14  : i32 {
      %mul3A_42 = arith.constant 1 : i32
      %mul3A_43 = arith.muli %scan3A_41, %mul3A_42 : i32
      %add3A_44 = arith.constant 0 : i32
      %add3A_45 = arith.addi %add3A_44, %mul3A_43 : i32
      %mul3A_46 = arith.constant 640 : i32
      %mul3A_47 = arith.muli %arg1, %mul3A_46 : i32
      %mul3A_48 = arith.constant 64 : i32
      %mul3A_49 = arith.muli %add3A_45, %mul3A_48 : i32
      %add3A_50 = arith.addi %mul3A_47, %mul3A_49 : i32
      "tpu.region"() ({
        %run_scoped3A = tpu.sem_alloc : memref<!tpu.dma_semaphore, #tpu.memory_space<semaphore_mem>>
        %dma_start3A_51 = arith.constant 0 : i32
        %dma_start3A_52 = tpu.memref_slice %arg19[%add3A_50, %dma_start3A_51] : memref<10240x128xf32, #tpu.memory_space<vmem_shared>> -> memref<64x128xf32, #tpu.memory_space<vmem_shared>>
        %dma_start3A_53 = arith.constant 0 : i32
        %dma_start3A_54 = tpu.memref_slice %arg19[%add3A_50, %dma_start3A_53] : memref<10240x128xf32, #tpu.memory_space<vmem_shared>> -> memref<64x128xf32, #tpu.memory_space<vmem_shared>>
        tpu.enqueue_dma source(%arg14 : memref<64x128xf32, #tpu.memory_space<vmem>>) target(%dma_start3A_54 : memref<64x128xf32, #tpu.memory_space<vmem_shared>>) target_semaphore(%run_scoped3A : memref<!tpu.dma_semaphore, #tpu.memory_space<semaphore_mem>>)
        %dma_wait3A = arith.constant 0 : i32
        %dma_wait3A_55 = tpu.memref_slice %arg19[%add3A_50, %dma_wait3A] : memref<10240x128xf32, #tpu.memory_space<vmem_shared>> -> memref<64x128xf32, #tpu.memory_space<vmem_shared>>
        %dma_wait3A_56 = arith.constant 0 : i32
        %dma_wait3A_57 = tpu.memref_slice %arg19[%add3A_50, %dma_wait3A_56] : memref<10240x128xf32, #tpu.memory_space<vmem_shared>> -> memref<64x128xf32, #tpu.memory_space<vmem_shared>>
        tpu.wait_dma2 semaphore(%run_scoped3A : memref<!tpu.dma_semaphore, #tpu.memory_space<semaphore_mem>>) src(%arg14 : memref<64x128xf32, #tpu.memory_space<vmem>>) dst(%dma_wait3A_57 : memref<64x128xf32, #tpu.memory_space<vmem_shared>>)
        tpu.yield
      }) : () -> ()
    }
    %scan3A_15 = arith.constant 10 : i32
    %barrier3A = arith.constant 0 : index
    tpu.barrier barrier_id(%barrier3A)
    %broadcast_in_dim3A_16 = arith.constant 16 : i32
    %broadcast_in_dim3A_17 = vector.broadcast %broadcast_in_dim3A_16 : i32 to vector<16xi32>
    %get3A = arith.constant 0 : index
    %get3A_18 = tpu.vector_load %arg18[%get3A] {strides = array<i32>} : memref<16xf32, #tpu.memory_space<vmem>>, vector<16xf32>,
    %get3A_19 = arith.constant 0 : index
    %get3A_20 = tpu.vector_load %arg17[%get3A_19] {strides = array<i32>} : memref<16xf32, #tpu.memory_space<vmem>>, vector<16xf32>,
    %broadcast_in_dim3A_21 = arith.constant 0 : i32
    %broadcast_in_dim3A_22 = vector.broadcast %broadcast_in_dim3A_21 : i32 to vector<16xi32>
    %broadcast_in_dim3A_23 = arith.constant 128 : i32
    %broadcast_in_dim3A_24 = vector.broadcast %broadcast_in_dim3A_23 : i32 to vector<16xi32>
    %mul3A_25 = arith.constant 3 : i32
    %mul3A_26 = arith.muli %add3A, %mul3A_25 : i32
    %mul3A_27 = arith.constant 64 : i32
    %mul3A_28 = arith.muli %mul3A_26, %mul3A_27 : i32
    %dma_start3A = tpu.memref_slice %arg5[%mul3A_28] : memref<480000xi32, #tpu.memory_space<hbm>> -> memref<192xi32, #tpu.memory_space<hbm>>
    %dma_start3A_29 = tpu.memref_slice %arg5[%mul3A_28] : memref<480000xi32, #tpu.memory_space<hbm>> -> memref<192xi32, #tpu.memory_space<hbm>>
    tpu.enqueue_dma source(%dma_start3A_29 : memref<192xi32, #tpu.memory_space<hbm>>) target(%arg10 : memref<192xi32, #tpu.memory_space<vmem>>) target_semaphore(%arg22 : memref<!tpu.dma_semaphore, #tpu.memory_space<semaphore_mem>>)
    %scan3A_30 = arith.constant 0 : i32
    %scan3A_31 = arith.constant 79 : i32
    %scan3A_32 = arith.addi %scan3A_30, %scan3A_31 : i32
    %scan3A_33 = arith.constant 1 : i32
    scf.for %scan3A_41 = %scan3A_30 to %scan3A_32 step %scan3A_33  : i32 {
      %mul3A_42 = arith.constant 1 : i32
      %mul3A_43 = arith.muli %scan3A_41, %mul3A_42 : i32
      %add3A_44 = arith.constant 0 : i32
      %add3A_45 = arith.addi %add3A_44, %mul3A_43 : i32
      %mul3A_46 = arith.constant 32 : i32
      %mul3A_47 = arith.muli %add3A_45, %mul3A_46 : i32
      %add3A_48 = arith.addi %add3A, %mul3A_47 : i32
      %lt3A = arith.constant 2500 : i32
      %lt3A_49 = arith.cmpi slt, %add3A_48, %lt3A : i32
      %convert_element_type3A = arith.extui %lt3A_49 : i1 to i32
      %cond3A = arith.constant 0 : i32
      %cond3A_50 = arith.cmpi ne, %convert_element_type3A, %cond3A : i32
      scf.if %cond3A_50 {
        %dma_wait3A = arith.constant 0 : i32
        %dma_wait3A_51 = tpu.memref_slice %arg5[%dma_wait3A] : memref<480000xi32, #tpu.memory_space<hbm>> -> memref<192xi32, #tpu.memory_space<hbm>>
        %dma_wait3A_52 = arith.constant 0 : i32
        %dma_wait3A_53 = tpu.memref_slice %arg5[%dma_wait3A_52] : memref<480000xi32, #tpu.memory_space<hbm>> -> memref<192xi32, #tpu.memory_space<hbm>>
        tpu.wait_dma2 semaphore(%arg22 : memref<!tpu.dma_semaphore, #tpu.memory_space<semaphore_mem>>) src(%dma_wait3A_53 : memref<192xi32, #tpu.memory_space<hbm>>) dst(%arg10 : memref<192xi32, #tpu.memory_space<vmem>>)
        %dma_start3A_54 = arith.constant 0 : i32
        %dma_start3A_55 = tpu.memref_slice %arg10[%dma_start3A_54] : memref<192xi32, #tpu.memory_space<vmem>> -> memref<64xi32, #tpu.memory_space<vmem>>
        %dma_start3A_56 = arith.constant 0 : i32
        %dma_start3A_57 = arith.constant 0 : i32
        %dma_start3A_58 = tpu.memref_slice %arg4[%dma_start3A_56, %dma_start3A_57] : memref<10240x128xf32, #tpu.memory_space<hbm>> -> memref<10240x128xf32, #tpu.memory_space<hbm>>
        tpu.enqueue_indirect_dma source(%dma_start3A_58 : memref<10240x128xf32, #tpu.memory_space<hbm>>) target(%arg14 : memref<64x128xf32, #tpu.memory_space<vmem>>) offsets(%dma_start3A_55 : memref<64xi32, #tpu.memory_space<vmem>>) semaphore(%arg21 : memref<!tpu.dma_semaphore, #tpu.memory_space<semaphore_mem>>)
        %dma_start3A_59 = arith.constant 0 : i32
        %dma_start3A_60 = tpu.memref_slice %arg10[%dma_start3A_59] : memref<192xi32, #tpu.memory_space<vmem>> -> memref<64xi32, #tpu.memory_space<vmem>>
        %dma_start3A_61 = arith.constant 0 : i32
        %dma_start3A_62 = arith.constant 0 : i32
        %dma_start3A_63 = tpu.memref_slice %arg2[%dma_start3A_61, %dma_start3A_62] : memref<10240x128xf32, #tpu.memory_space<hbm>> -> memref<10240x128xf32, #tpu.memory_space<hbm>>
        tpu.enqueue_indirect_dma source(%dma_start3A_63 : memref<10240x128xf32, #tpu.memory_space<hbm>>) target(%arg12 : memref<64x128xf32, #tpu.memory_space<vmem>>) offsets(%dma_start3A_60 : memref<64xi32, #tpu.memory_space<vmem>>) semaphore(%arg20 : memref<!tpu.dma_semaphore, #tpu.memory_space<semaphore_mem>>)
        %dma_start3A_64 = arith.constant 64 : i32
        %dma_start3A_65 = tpu.memref_slice %arg10[%dma_start3A_64] : memref<192xi32, #tpu.memory_space<vmem>> -> memref<64xi32, #tpu.memory_space<vmem>>
        %dma_start3A_66 = arith.constant 0 : i32
        %dma_start3A_67 = arith.constant 0 : i32
        %dma_start3A_68 = tpu.memref_slice %arg3[%dma_start3A_66, %dma_start3A_67] : memref<10240x128xf32, #tpu.memory_space<hbm>> -> memref<10240x128xf32, #tpu.memory_space<hbm>>
        tpu.enqueue_indirect_dma source(%dma_start3A_68 : memref<10240x128xf32, #tpu.memory_space<hbm>>) target(%arg13 : memref<64x128xf32, #tpu.memory_space<vmem>>) offsets(%dma_start3A_65 : memref<64xi32, #tpu.memory_space<vmem>>) semaphore(%arg20 : memref<!tpu.dma_semaphore, #tpu.memory_space<semaphore_mem>>)
        %dma_wait3A_69 = arith.constant 0 : i32
        %dma_wait3A_70 = tpu.memref_slice %arg10[%dma_wait3A_69] : memref<192xi32, #tpu.memory_space<vmem>> -> memref<64xi32, #tpu.memory_space<vmem>>
        %dma_wait3A_71 = arith.constant 0 : i32
        %dma_wait3A_72 = arith.constant 0 : i32
        %dma_wait3A_73 = tpu.memref_slice %arg2[%dma_wait3A_71, %dma_wait3A_72] : memref<10240x128xf32, #tpu.memory_space<hbm>> -> memref<10240x128xf32, #tpu.memory_space<hbm>>
        tpu.wait_indirect_dma semaphore(%arg20 : memref<!tpu.dma_semaphore, #tpu.memory_space<semaphore_mem>>) src(%dma_wait3A_73 : memref<10240x128xf32, #tpu.memory_space<hbm>>) dst(%arg12 : memref<64x128xf32, #tpu.memory_space<vmem>>)
        %dma_wait3A_74 = arith.constant 64 : i32
        %dma_wait3A_75 = tpu.memref_slice %arg10[%dma_wait3A_74] : memref<192xi32, #tpu.memory_space<vmem>> -> memref<64xi32, #tpu.memory_space<vmem>>
        %dma_wait3A_76 = arith.constant 0 : i32
        %dma_wait3A_77 = arith.constant 0 : i32
        %dma_wait3A_78 = tpu.memref_slice %arg3[%dma_wait3A_76, %dma_wait3A_77] : memref<10240x128xf32, #tpu.memory_space<hbm>> -> memref<10240x128xf32, #tpu.memory_space<hbm>>
        tpu.wait_indirect_dma semaphore(%arg20 : memref<!tpu.dma_semaphore, #tpu.memory_space<semaphore_mem>>) src(%dma_wait3A_78 : memref<10240x128xf32, #tpu.memory_space<hbm>>) dst(%arg13 : memref<64x128xf32, #tpu.memory_space<vmem>>)
        %parallel_loop3A = arith.constant 0 : i32
        %parallel_loop3A_79 = arith.constant 64 : i32
        %parallel_loop3A_80 = arith.constant 1 : i32
        scf.for %parallel_loop3A_122 = %parallel_loop3A to %parallel_loop3A_79 step %parallel_loop3A_80  : i32 {
          %parallel_loop3A_123 = vector.broadcast %parallel_loop3A_122 : i32 to vector<16xi32>
          %parallel_loop3A_124 = arith.index_cast %parallel_loop3A_122 : i32 to index
          %parallel_loop3A_125 = arith.constant 0 : index
          %parallel_loop3A_126 = tpu.vector_load %arg12[%parallel_loop3A_124, %parallel_loop3A_125] {strides = array<i32>} : memref<64x128xf32, #tpu.memory_space<vmem>>, vector<16xf32>,
          %parallel_loop3A_127 = arith.index_cast %parallel_loop3A_122 : i32 to index
          %parallel_loop3A_128 = arith.constant 0 : index
          %parallel_loop3A_129 = tpu.vector_load %arg13[%parallel_loop3A_127, %parallel_loop3A_128] {strides = array<i32>} : memref<64x128xf32, #tpu.memory_space<vmem>>, vector<16xf32>,
          %parallel_loop3A_130 = arith.addi %broadcast_in_dim3A_24, %parallel_loop3A_123 : vector<16xi32>
          %parallel_loop3A_131 = tpu.vector_load_idx %arg10[%parallel_loop3A_130] : memref<192xi32, #tpu.memory_space<vmem>>[vector<16xi32>], vector<16xi32>,
          %parallel_loop3A_132 = vector.bitcast %parallel_loop3A_131 : vector<16xi32> to vector<16xf32>
          %parallel_loop3A_133 = arith.addf %parallel_loop3A_126, %parallel_loop3A_129 : vector<16xf32>
          %parallel_loop3A_134 = arith.mulf %parallel_loop3A_132, %get3A_18 : vector<16xf32>
          %parallel_loop3A_135 = arith.addf %parallel_loop3A_133, %parallel_loop3A_134 : vector<16xf32>
          %parallel_loop3A_136 = arith.constant 0.000000e+00 : f32
          %parallel_loop3A_137 = vector.broadcast %parallel_loop3A_136 : f32 to vector<16xf32>
          %parallel_loop3A_138 = arith.maximumf %parallel_loop3A_135, %parallel_loop3A_137 : vector<16xf32>
          %parallel_loop3A_139 = arith.mulf %parallel_loop3A_138, %get3A_20 : vector<16xf32>
          %parallel_loop3A_140 = arith.constant true
          %parallel_loop3A_141 = vector.broadcast %parallel_loop3A_140 : i1 to vector<16xi1>
          %parallel_loop3A_142 = tpu.scan <sum>, %parallel_loop3A_139 masked %parallel_loop3A_141 : vector<16xf32>, vector<16xi1> -> vector<16xf32>
          %parallel_loop3A_143 = vector.extract %parallel_loop3A_142[15] : f32 from vector<16xf32>
          %parallel_loop3A_144 = tpu.vector_load_idx %arg12[%parallel_loop3A_123, %broadcast_in_dim3A_17] : memref<64x128xf32, #tpu.memory_space<vmem>>[vector<16xi32>, vector<16xi32>], vector<16xf32>,
          %parallel_loop3A_145 = tpu.vector_load_idx %arg13[%parallel_loop3A_123, %broadcast_in_dim3A_17] : memref<64x128xf32, #tpu.memory_space<vmem>>[vector<16xi32>, vector<16xi32>], vector<16xf32>,
          %parallel_loop3A_146 = arith.addf %parallel_loop3A_144, %parallel_loop3A_145 : vector<16xf32>
          %parallel_loop3A_147 = vector.broadcast %parallel_loop3A_143 : f32 to vector<16xf32>
          %parallel_loop3A_148 = arith.addf %parallel_loop3A_146, %parallel_loop3A_147 : vector<16xf32>
          %parallel_loop3A_149 = arith.constant 0.000000e+00 : f32
          %parallel_loop3A_150 = vector.broadcast %parallel_loop3A_149 : f32 to vector<16xf32>
          %parallel_loop3A_151 = arith.cmpf oge, %parallel_loop3A_148, %parallel_loop3A_150 : vector<16xf32>
          %parallel_loop3A_152 = arith.constant 2.000000e-01 : f32
          %parallel_loop3A_153 = vector.broadcast %parallel_loop3A_152 : f32 to vector<16xf32>
          %parallel_loop3A_154 = arith.mulf %parallel_loop3A_153, %parallel_loop3A_148 : vector<16xf32>
          %parallel_loop3A_155 = arith.select %parallel_loop3A_151, %parallel_loop3A_148, %parallel_loop3A_154 : vector<16xi1>, vector<16xf32>
          %parallel_loop3A_156 = math.exp %parallel_loop3A_155 : vector<16xf32>
          %parallel_loop3A_157 = arith.index_cast %parallel_loop3A_122 : i32 to index
          %parallel_loop3A_158 = arith.constant 0 : index
          %parallel_loop3A_159 = tpu.vector_load %arg15[%parallel_loop3A_157, %parallel_loop3A_158] {strides = array<i32>} : memref<64x16xf32, #tpu.memory_space<vmem>>, vector<16xf32>,
          tpu.vector_store %arg15[%parallel_loop3A_157, %parallel_loop3A_158], %parallel_loop3A_156 {strides = array<i32>} : memref<64x16xf32, #tpu.memory_space<vmem>>, vector<16xf32>,
        } {sc.loop_unroll_factor = 4 : i64, sc.parallel_access}
        %dma_wait3A_81 = arith.constant 0 : i32
        %dma_wait3A_82 = tpu.memref_slice %arg10[%dma_wait3A_81] : memref<192xi32, #tpu.memory_space<vmem>> -> memref<64xi32, #tpu.memory_space<vmem>>
        %dma_wait3A_83 = arith.constant 0 : i32
        %dma_wait3A_84 = arith.constant 0 : i32
        %dma_wait3A_85 = tpu.memref_slice %arg4[%dma_wait3A_83, %dma_wait3A_84] : memref<10240x128xf32, #tpu.memory_space<hbm>> -> memref<10240x128xf32, #tpu.memory_space<hbm>>
        tpu.wait_indirect_dma semaphore(%arg21 : memref<!tpu.dma_semaphore, #tpu.memory_space<semaphore_mem>>) src(%dma_wait3A_85 : memref<10240x128xf32, #tpu.memory_space<hbm>>) dst(%arg14 : memref<64x128xf32, #tpu.memory_space<vmem>>)
        %get3A_86 = arith.constant 64 : index
        %get3A_87 = tpu.vector_load %arg10[%get3A_86] {strides = array<i32>} : memref<192xi32, #tpu.memory_space<vmem>>, vector<16xi32>,
        %swap3A = arith.constant 0 : index
        %swap3A_88 = tpu.vector_load %arg11[%swap3A] {strides = array<i32>} : memref<64xi32, #tpu.memory_space<vmem>>, vector<16xi32>,
        tpu.vector_store %arg11[%swap3A], %get3A_87 {strides = array<i32>} : memref<64xi32, #tpu.memory_space<vmem>>, vector<16xi32>,
        %get3A_89 = arith.constant 80 : index
        %get3A_90 = tpu.vector_load %arg10[%get3A_89] {strides = array<i32>} : memref<192xi32, #tpu.memory_space<vmem>>, vector<16xi32>,
        %swap3A_91 = arith.constant 16 : index
        %swap3A_92 = tpu.vector_load %arg11[%swap3A_91] {strides = array<i32>} : memref<64xi32, #tpu.memory_space<vmem>>, vector<16xi32>,
        tpu.vector_store %arg11[%swap3A_91], %get3A_90 {strides = array<i32>} : memref<64xi32, #tpu.memory_space<vmem>>, vector<16xi32>,
        %get3A_93 = arith.constant 96 : index
        %get3A_94 = tpu.vector_load %arg10[%get3A_93] {strides = array<i32>} : memref<192xi32, #tpu.memory_space<vmem>>, vector<16xi32>,
        %swap3A_95 = arith.constant 32 : index
        %swap3A_96 = tpu.vector_load %arg11[%swap3A_95] {strides = array<i32>} : memref<64xi32, #tpu.memory_space<vmem>>, vector<16xi32>,
        tpu.vector_store %arg11[%swap3A_95], %get3A_94 {strides = array<i32>} : memref<64xi32, #tpu.memory_space<vmem>>, vector<16xi32>,
        %get3A_97 = arith.constant 112 : index
        %get3A_98 = tpu.vector_load %arg10[%get3A_97] {strides = array<i32>} : memref<192xi32, #tpu.memory_space<vmem>>, vector<16xi32>,
        %swap3A_99 = arith.constant 48 : index
        %swap3A_100 = tpu.vector_load %arg11[%swap3A_99] {strides = array<i32>} : memref<64xi32, #tpu.memory_space<vmem>>, vector<16xi32>,
        tpu.vector_store %arg11[%swap3A_99], %get3A_98 {strides = array<i32>} : memref<64xi32, #tpu.memory_space<vmem>>, vector<16xi32>,
        %add3A_101 = arith.constant 32 : i32
        %add3A_102 = arith.addi %add3A_48, %add3A_101 : i32
        %lt3A_103 = arith.constant 2500 : i32
        %lt3A_104 = arith.cmpi slt, %add3A_102, %lt3A_103 : i32
        %convert_element_type3A_105 = arith.extui %lt3A_104 : i1 to i32
        %cond3A_106 = arith.constant 0 : i32
        %cond3A_107 = arith.cmpi ne, %convert_element_type3A_105, %cond3A_106 : i32
        scf.if %cond3A_107 {
          %mul3A_122 = arith.constant 3 : i32
          %mul3A_123 = arith.muli %add3A_102, %mul3A_122 : i32
          %mul3A_124 = arith.constant 64 : i32
          %mul3A_125 = arith.muli %mul3A_123, %mul3A_124 : i32
          %dma_start3A_126 = tpu.memref_slice %arg5[%mul3A_125] : memref<480000xi32, #tpu.memory_space<hbm>> -> memref<192xi32, #tpu.memory_space<hbm>>
          %dma_start3A_127 = tpu.memref_slice %arg5[%mul3A_125] : memref<480000xi32, #tpu.memory_space<hbm>> -> memref<192xi32, #tpu.memory_space<hbm>>
          tpu.enqueue_dma source(%dma_start3A_127 : memref<192xi32, #tpu.memory_space<hbm>>) target(%arg10 : memref<192xi32, #tpu.memory_space<vmem>>) target_semaphore(%arg22 : memref<!tpu.dma_semaphore, #tpu.memory_space<semaphore_mem>>)
        } else {
        }
        %parallel_loop3A_108 = arith.constant 0 : i32
        %parallel_loop3A_109 = arith.constant 64 : i32
        %parallel_loop3A_110 = arith.constant 1 : i32
        scf.for %parallel_loop3A_122 = %parallel_loop3A_108 to %parallel_loop3A_109 step %parallel_loop3A_110  : i32 {
          %parallel_loop3A_123 = arith.index_cast %parallel_loop3A_122 : i32 to index
          %parallel_loop3A_124 = arith.constant 0 : index
          %parallel_loop3A_125 = tpu.vector_load %arg15[%parallel_loop3A_123, %parallel_loop3A_124] {strides = array<i32>} : memref<64x16xf32, #tpu.memory_space<vmem>>, vector<16xf32>,
          %parallel_loop3A_126 = arith.index_cast %parallel_loop3A_122 : i32 to index
          %parallel_loop3A_127 = arith.constant 0 : index
          %parallel_loop3A_128 = tpu.vector_load %arg14[%parallel_loop3A_126, %parallel_loop3A_127] {strides = array<i32>} : memref<64x128xf32, #tpu.memory_space<vmem>>, vector<16xf32>,
          %parallel_loop3A_129 = arith.mulf %parallel_loop3A_128, %parallel_loop3A_125 : vector<16xf32>
          %parallel_loop3A_130 = arith.index_cast %parallel_loop3A_122 : i32 to index
          %parallel_loop3A_131 = arith.constant 0 : index
          %parallel_loop3A_132 = tpu.vector_load %arg14[%parallel_loop3A_130, %parallel_loop3A_131] {strides = array<i32>} : memref<64x128xf32, #tpu.memory_space<vmem>>, vector<16xf32>,
          tpu.vector_store %arg14[%parallel_loop3A_130, %parallel_loop3A_131], %parallel_loop3A_129 {strides = array<i32>} : memref<64x128xf32, #tpu.memory_space<vmem>>, vector<16xf32>,
          %parallel_loop3A_133 = arith.index_cast %parallel_loop3A_122 : i32 to index
          %parallel_loop3A_134 = arith.constant 16 : index
          %parallel_loop3A_135 = tpu.vector_load %arg14[%parallel_loop3A_133, %parallel_loop3A_134] {strides = array<i32>} : memref<64x128xf32, #tpu.memory_space<vmem>>, vector<16xf32>,
          %parallel_loop3A_136 = arith.mulf %parallel_loop3A_135, %parallel_loop3A_125 : vector<16xf32>
          %parallel_loop3A_137 = arith.index_cast %parallel_loop3A_122 : i32 to index
          %parallel_loop3A_138 = arith.constant 16 : index
          %parallel_loop3A_139 = tpu.vector_load %arg14[%parallel_loop3A_137, %parallel_loop3A_138] {strides = array<i32>} : memref<64x128xf32, #tpu.memory_space<vmem>>, vector<16xf32>,
          tpu.vector_store %arg14[%parallel_loop3A_137, %parallel_loop3A_138], %parallel_loop3A_136 {strides = array<i32>} : memref<64x128xf32, #tpu.memory_space<vmem>>, vector<16xf32>,
          %parallel_loop3A_140 = arith.index_cast %parallel_loop3A_122 : i32 to index
          %parallel_loop3A_141 = arith.constant 32 : index
          %parallel_loop3A_142 = tpu.vector_load %arg14[%parallel_loop3A_140, %parallel_loop3A_141] {strides = array<i32>} : memref<64x128xf32, #tpu.memory_space<vmem>>, vector<16xf32>,
          %parallel_loop3A_143 = arith.mulf %parallel_loop3A_142, %parallel_loop3A_125 : vector<16xf32>
          %parallel_loop3A_144 = arith.index_cast %parallel_loop3A_122 : i32 to index
          %parallel_loop3A_145 = arith.constant 32 : index
          %parallel_loop3A_146 = tpu.vector_load %arg14[%parallel_loop3A_144, %parallel_loop3A_145] {strides = array<i32>} : memref<64x128xf32, #tpu.memory_space<vmem>>, vector<16xf32>,
          tpu.vector_store %arg14[%parallel_loop3A_144, %parallel_loop3A_145], %parallel_loop3A_143 {strides = array<i32>} : memref<64x128xf32, #tpu.memory_space<vmem>>, vector<16xf32>,
          %parallel_loop3A_147 = arith.index_cast %parallel_loop3A_122 : i32 to index
          %parallel_loop3A_148 = arith.constant 48 : index
          %parallel_loop3A_149 = tpu.vector_load %arg14[%parallel_loop3A_147, %parallel_loop3A_148] {strides = array<i32>} : memref<64x128xf32, #tpu.memory_space<vmem>>, vector<16xf32>,
          %parallel_loop3A_150 = arith.mulf %parallel_loop3A_149, %parallel_loop3A_125 : vector<16xf32>
          %parallel_loop3A_151 = arith.index_cast %parallel_loop3A_122 : i32 to index
          %parallel_loop3A_152 = arith.constant 48 : index
          %parallel_loop3A_153 = tpu.vector_load %arg14[%parallel_loop3A_151, %parallel_loop3A_152] {strides = array<i32>} : memref<64x128xf32, #tpu.memory_space<vmem>>, vector<16xf32>,
          tpu.vector_store %arg14[%parallel_loop3A_151, %parallel_loop3A_152], %parallel_loop3A_150 {strides = array<i32>} : memref<64x128xf32, #tpu.memory_space<vmem>>, vector<16xf32>,
          %parallel_loop3A_154 = arith.index_cast %parallel_loop3A_122 : i32 to index
          %parallel_loop3A_155 = arith.constant 64 : index
          %parallel_loop3A_156 = tpu.vector_load %arg14[%parallel_loop3A_154, %parallel_loop3A_155] {strides = array<i32>} : memref<64x128xf32, #tpu.memory_space<vmem>>, vector<16xf32>,
          %parallel_loop3A_157 = arith.mulf %parallel_loop3A_156, %parallel_loop3A_125 : vector<16xf32>
          %parallel_loop3A_158 = arith.index_cast %parallel_loop3A_122 : i32 to index
          %parallel_loop3A_159 = arith.constant 64 : index
          %parallel_loop3A_160 = tpu.vector_load %arg14[%parallel_loop3A_158, %parallel_loop3A_159] {strides = array<i32>} : memref<64x128xf32, #tpu.memory_space<vmem>>, vector<16xf32>,
          tpu.vector_store %arg14[%parallel_loop3A_158, %parallel_loop3A_159], %parallel_loop3A_157 {strides = array<i32>} : memref<64x128xf32, #tpu.memory_space<vmem>>, vector<16xf32>,
          %parallel_loop3A_161 = arith.index_cast %parallel_loop3A_122 : i32 to index
          %parallel_loop3A_162 = arith.constant 80 : index
          %parallel_loop3A_163 = tpu.vector_load %arg14[%parallel_loop3A_161, %parallel_loop3A_162] {strides = array<i32>} : memref<64x128xf32, #tpu.memory_space<vmem>>, vector<16xf32>,
          %parallel_loop3A_164 = arith.mulf %parallel_loop3A_163, %parallel_loop3A_125 : vector<16xf32>
          %parallel_loop3A_165 = arith.index_cast %parallel_loop3A_122 : i32 to index
          %parallel_loop3A_166 = arith.constant 80 : index
          %parallel_loop3A_167 = tpu.vector_load %arg14[%parallel_loop3A_165, %parallel_loop3A_166] {strides = array<i32>} : memref<64x128xf32, #tpu.memory_space<vmem>>, vector<16xf32>,
          tpu.vector_store %arg14[%parallel_loop3A_165, %parallel_loop3A_166], %parallel_loop3A_164 {strides = array<i32>} : memref<64x128xf32, #tpu.memory_space<vmem>>, vector<16xf32>,
          %parallel_loop3A_168 = arith.index_cast %parallel_loop3A_122 : i32 to index
          %parallel_loop3A_169 = arith.constant 96 : index
          %parallel_loop3A_170 = tpu.vector_load %arg14[%parallel_loop3A_168, %parallel_loop3A_169] {strides = array<i32>} : memref<64x128xf32, #tpu.memory_space<vmem>>, vector<16xf32>,
          %parallel_loop3A_171 = arith.mulf %parallel_loop3A_170, %parallel_loop3A_125 : vector<16xf32>
          %parallel_loop3A_172 = arith.index_cast %parallel_loop3A_122 : i32 to index
          %parallel_loop3A_173 = arith.constant 96 : index
          %parallel_loop3A_174 = tpu.vector_load %arg14[%parallel_loop3A_172, %parallel_loop3A_173] {strides = array<i32>} : memref<64x128xf32, #tpu.memory_space<vmem>>, vector<16xf32>,
          tpu.vector_store %arg14[%parallel_loop3A_172, %parallel_loop3A_173], %parallel_loop3A_171 {strides = array<i32>} : memref<64x128xf32, #tpu.memory_space<vmem>>, vector<16xf32>,
          %parallel_loop3A_175 = arith.index_cast %parallel_loop3A_122 : i32 to index
          %parallel_loop3A_176 = arith.constant 112 : index
          %parallel_loop3A_177 = tpu.vector_load %arg14[%parallel_loop3A_175, %parallel_loop3A_176] {strides = array<i32>} : memref<64x128xf32, #tpu.memory_space<vmem>>, vector<16xf32>,
          %parallel_loop3A_178 = arith.mulf %parallel_loop3A_177, %parallel_loop3A_125 : vector<16xf32>
          %parallel_loop3A_179 = arith.index_cast %parallel_loop3A_122 : i32 to index
          %parallel_loop3A_180 = arith.constant 112 : index
          %parallel_loop3A_181 = tpu.vector_load %arg14[%parallel_loop3A_179, %parallel_loop3A_180] {strides = array<i32>} : memref<64x128xf32, #tpu.memory_space<vmem>>, vector<16xf32>,
          tpu.vector_store %arg14[%parallel_loop3A_179, %parallel_loop3A_180], %parallel_loop3A_178 {strides = array<i32>} : memref<64x128xf32, #tpu.memory_space<vmem>>, vector<16xf32>,
        } {sc.loop_unroll_factor = 2 : i64, sc.parallel_access}
        %dma_start3A_111 = arith.constant 0 : i32
        %dma_start3A_112 = arith.constant 0 : i32
        %dma_start3A_113 = tpu.memref_slice %arg19[%dma_start3A_111, %dma_start3A_112] : memref<10240x128xf32, #tpu.memory_space<vmem_shared>> -> memref<10240x128xf32, #tpu.memory_space<vmem_shared>>
        tpu.enqueue_indirect_dma source(%arg14 : memref<64x128xf32, #tpu.memory_space<vmem>>) target(%dma_start3A_113 : memref<10240x128xf32, #tpu.memory_space<vmem_shared>>) offsets(%arg11 : memref<64xi32, #tpu.memory_space<vmem>>) semaphore(%arg20 : memref<!tpu.dma_semaphore, #tpu.memory_space<semaphore_mem>>) {add = true}
        %scan3A_114 = arith.constant 0 : i32
        %scan3A_115 = arith.constant 4 : i32
        %scan3A_116 = arith.addi %scan3A_114, %scan3A_115 : i32
        %scan3A_117 = arith.constant 1 : i32
        scf.for %scan3A_122 = %scan3A_114 to %scan3A_116 step %scan3A_117  : i32 {
          %mul3A_123 = arith.constant 16 : i32
          %mul3A_124 = arith.muli %scan3A_122, %mul3A_123 : i32
          %add3A_125 = arith.constant 0 : i32
          %add3A_126 = arith.addi %add3A_125, %mul3A_124 : i32
          %add3A_127 = vector.broadcast %add3A_126 : i32 to vector<16xi32>
          %add3A_128 = arith.addi %iota3A, %add3A_127 : vector<16xi32>
          %gather3A = tpu.vector_load_idx %arg15[%add3A_128, %broadcast_in_dim3A_22] : memref<64x16xf32, #tpu.memory_space<vmem>>[vector<16xi32>, vector<16xi32>], vector<16xf32>,
          %get3A_129 = arith.index_cast %add3A_126 : i32 to index
          %get3A_130 = tpu.vector_load %arg11[%get3A_129] {strides = array<i32>} : memref<64xi32, #tpu.memory_space<vmem>>, vector<16xi32>,
          tpu.vector_store_idx %arg16[%get3A_130], %gather3A {add = true} : memref<10240xf32, #tpu.memory_space<vmem>>[vector<16xi32>], vector<16xf32>,
        }
        %scan3A_118 = arith.constant 4 : i32
        %dma_wait3A_119 = arith.constant 0 : i32
        %dma_wait3A_120 = arith.constant 0 : i32
        %dma_wait3A_121 = tpu.memref_slice %arg19[%dma_wait3A_119, %dma_wait3A_120] : memref<10240x128xf32, #tpu.memory_space<vmem_shared>> -> memref<10240x128xf32, #tpu.memory_space<vmem_shared>>
        tpu.wait_indirect_dma semaphore(%arg20 : memref<!tpu.dma_semaphore, #tpu.memory_space<semaphore_mem>>) src(%arg14 : memref<64x128xf32, #tpu.memory_space<vmem>>) dst(%dma_wait3A_121 : memref<10240x128xf32, #tpu.memory_space<vmem_shared>>)
      } else {
      }
    }
    %scan3A_34 = arith.constant 79 : i32
    %barrier3A_35 = arith.constant 0 : index
    tpu.barrier barrier_id(%barrier3A_35)
    %scan3A_36 = arith.constant 0 : i32
    %scan3A_37 = arith.constant 10 : i32
    %scan3A_38 = arith.addi %scan3A_36, %scan3A_37 : i32
    %scan3A_39 = arith.constant 1 : i32
    scf.for %scan3A_41 = %scan3A_36 to %scan3A_38 step %scan3A_39  : i32 {
      %mul3A_42 = arith.constant 1 : i32
      %mul3A_43 = arith.muli %scan3A_41, %mul3A_42 : i32
      %add3A_44 = arith.constant 0 : i32
      %add3A_45 = arith.addi %add3A_44, %mul3A_43 : i32
      %mul3A_46 = arith.constant 640 : i32
      %mul3A_47 = arith.muli %arg1, %mul3A_46 : i32
      %mul3A_48 = arith.constant 64 : i32
      %mul3A_49 = arith.muli %add3A_45, %mul3A_48 : i32
      %add3A_50 = arith.addi %mul3A_47, %mul3A_49 : i32
      "tpu.region"() ({
        %run_scoped3A = tpu.sem_alloc : memref<!tpu.dma_semaphore, #tpu.memory_space<semaphore_mem>>
        %dma_start3A_51 = arith.constant 0 : i32
        %dma_start3A_52 = tpu.memref_slice %arg8[%arg0, %add3A_50, %dma_start3A_51] : memref<2x10240x128xf32, #tpu.memory_space<hbm>> -> memref<1x64x128xf32, #tpu.memory_space<hbm>>
        %dma_start3A_53 = tpu.memref_squeeze %dma_start3A_52 : memref<1x64x128xf32, #tpu.memory_space<hbm>> -> memref<64x128xf32, #tpu.memory_space<hbm>>
        %dma_start3A_54 = arith.constant 0 : i32
        %dma_start3A_55 = tpu.memref_slice %arg19[%add3A_50, %dma_start3A_54] : memref<10240x128xf32, #tpu.memory_space<vmem_shared>> -> memref<64x128xf32, #tpu.memory_space<vmem_shared>>
        tpu.enqueue_dma source(%dma_start3A_55 : memref<64x128xf32, #tpu.memory_space<vmem_shared>>) target(%dma_start3A_53 : memref<64x128xf32, #tpu.memory_space<hbm>>) target_semaphore(%run_scoped3A : memref<!tpu.dma_semaphore, #tpu.memory_space<semaphore_mem>>)
        %dma_wait3A = arith.constant 0 : i32
        %dma_wait3A_56 = tpu.memref_slice %arg8[%arg0, %add3A_50, %dma_wait3A] : memref<2x10240x128xf32, #tpu.memory_space<hbm>> -> memref<1x64x128xf32, #tpu.memory_space<hbm>>
        %dma_wait3A_57 = tpu.memref_squeeze %dma_wait3A_56 : memref<1x64x128xf32, #tpu.memory_space<hbm>> -> memref<64x128xf32, #tpu.memory_space<hbm>>
        %dma_wait3A_58 = arith.constant 0 : i32
        %dma_wait3A_59 = tpu.memref_slice %arg19[%add3A_50, %dma_wait3A_58] : memref<10240x128xf32, #tpu.memory_space<vmem_shared>> -> memref<64x128xf32, #tpu.memory_space<vmem_shared>>
        tpu.wait_dma2 semaphore(%run_scoped3A : memref<!tpu.dma_semaphore, #tpu.memory_space<semaphore_mem>>) src(%dma_wait3A_59 : memref<64x128xf32, #tpu.memory_space<vmem_shared>>) dst(%dma_wait3A_57 : memref<64x128xf32, #tpu.memory_space<hbm>>)
        tpu.yield
      }) : () -> ()
    }
    %scan3A_40 = arith.constant 10 : i32
    "tpu.region"() ({
      %run_scoped3A = tpu.sem_alloc : memref<!tpu.dma_semaphore, #tpu.memory_space<semaphore_mem>>
      %dma_start3A_41 = arith.constant 0 : i32
      %dma_start3A_42 = tpu.memref_slice %arg9[%add3A, %dma_start3A_41] : memref<32x10240xf32, #tpu.memory_space<hbm>> -> memref<1x10240xf32, #tpu.memory_space<hbm>>
      %dma_start3A_43 = tpu.memref_squeeze %dma_start3A_42 : memref<1x10240xf32, #tpu.memory_space<hbm>> -> memref<10240xf32, #tpu.memory_space<hbm>>
      %dma_start3A_44 = arith.constant 0 : i32
      %dma_start3A_45 = tpu.memref_slice %arg9[%add3A, %dma_start3A_44] : memref<32x10240xf32, #tpu.memory_space<hbm>> -> memref<1x10240xf32, #tpu.memory_space<hbm>>
      %dma_start3A_46 = tpu.memref_squeeze %dma_start3A_45 : memref<1x10240xf32, #tpu.memory_space<hbm>> -> memref<10240xf32, #tpu.memory_space<hbm>>
      tpu.enqueue_dma source(%arg16 : memref<10240xf32, #tpu.memory_space<vmem>>) target(%dma_start3A_46 : memref<10240xf32, #tpu.memory_space<hbm>>) target_semaphore(%run_scoped3A : memref<!tpu.dma_semaphore, #tpu.memory_space<semaphore_mem>>)
      %dma_wait3A = arith.constant 0 : i32
      %dma_wait3A_47 = tpu.memref_slice %arg9[%add3A, %dma_wait3A] : memref<32x10240xf32, #tpu.memory_space<hbm>> -> memref<1x10240xf32, #tpu.memory_space<hbm>>
      %dma_wait3A_48 = tpu.memref_squeeze %dma_wait3A_47 : memref<1x10240xf32, #tpu.memory_space<hbm>> -> memref<10240xf32, #tpu.memory_space<hbm>>
      %dma_wait3A_49 = arith.constant 0 : i32
      %dma_wait3A_50 = tpu.memref_slice %arg9[%add3A, %dma_wait3A_49] : memref<32x10240xf32, #tpu.memory_space<hbm>> -> memref<1x10240xf32, #tpu.memory_space<hbm>>
      %dma_wait3A_51 = tpu.memref_squeeze %dma_wait3A_50 : memref<1x10240xf32, #tpu.memory_space<hbm>> -> memref<10240xf32, #tpu.memory_space<hbm>>
      tpu.wait_dma2 semaphore(%run_scoped3A : memref<!tpu.dma_semaphore, #tpu.memory_space<semaphore_mem>>) src(%arg16 : memref<10240xf32, #tpu.memory_space<vmem>>) dst(%dma_wait3A_51 : memref<10240xf32, #tpu.memory_space<hbm>>)
      tpu.yield
    }) : () -> ()
    return
  }
}

module attributes {stable_mosaic.version = 14 : i64} {
  func.func @_tables_body(%arg0: i32, %arg1: memref<512x128xf32, #tpu.memory_space<vmem>>, %arg2: memref<512x128xf32, #tpu.memory_space<vmem>>, %arg3: memref<256x128xf32, #tpu.memory_space<vmem>>, %arg4: memref<256x128xf32, #tpu.memory_space<vmem>>, %arg5: memref<1x128xf32, #tpu.memory_space<vmem>>, %arg6: memref<512x128xf32, #tpu.memory_space<vmem>>, %arg7: memref<512x128xf32, #tpu.memory_space<vmem>>) attributes {dimension_semantics = [#tpu.dimension_semantics<arbitrary>], iteration_bounds = array<i64: 20>, scalar_prefetch = 0 : i64, scratch_operands = 0 : i64, tpu.core_type = #tpu.core_type<tc>, window_params = [{transform_indices = @transform_0, window_bounds = array<i64: 512, 128>}, {transform_indices = @transform_1, window_bounds = array<i64: 512, 128>}, {pipeline_mode = #tpu.pipeline_mode<synchronous>, transform_indices = @transform_2, window_bounds = array<i64: 256, 128>}, {pipeline_mode = #tpu.pipeline_mode<synchronous>, transform_indices = @transform_3, window_bounds = array<i64: 256, 128>}, {pipeline_mode = #tpu.pipeline_mode<synchronous>, transform_indices = @transform_4, window_bounds = array<i64: 1, 128>}, {transform_indices = @transform_5, window_bounds = array<i64: 512, 128>}, {transform_indices = @transform_6, window_bounds = array<i64: 512, 128>}]} {
    %get3A = arith.constant 0 : index
    %get3A_0 = arith.constant 0 : index
    %get3A_1 = vector.load %arg1[%get3A, %get3A_0] : memref<512x128xf32, #tpu.memory_space<vmem>>, vector<512x128xf32>
    %get3A_2 = arith.constant 0 : index
    %get3A_3 = arith.constant 0 : index
    %get3A_4 = vector.load %arg2[%get3A_2, %get3A_3] : memref<512x128xf32, #tpu.memory_space<vmem>>, vector<512x128xf32>
    %concatenate3A = tpu.concatenate %get3A_1, %get3A_4 in 1 : vector<512x128xf32>, vector<512x128xf32> -> vector<512x256xf32>
    %get3A_5 = arith.constant 0 : index
    %get3A_6 = arith.constant 0 : index
    %get3A_7 = vector.load %arg3[%get3A_5, %get3A_6] : memref<256x128xf32, #tpu.memory_space<vmem>>, vector<256x128xf32>
    %dot_general3A = arith.constant dense<0.000000e+00> : vector<512x128xf32>
    %dot_general3A_8 = tpu.matmul %concatenate3A, %get3A_7, %dot_general3A {dimension_numbers = #tpu.dot_dimension_numbers<[1], [0], [0], [1], [0, 0, 1, 1], [], []>, transpose_lhs_hint = false} : vector<512x256xf32>, vector<256x128xf32>, vector<512x128xf32> -> vector<512x128xf32>
    %get3A_9 = arith.constant 0 : index
    %get3A_10 = arith.constant 0 : index
    %get3A_11 = vector.load %arg5[%get3A_9, %get3A_10] : memref<1x128xf32, #tpu.memory_space<vmem>>, vector<1x128xf32>
    %add3A = vector.broadcast %get3A_11 : vector<1x128xf32> to vector<512x128xf32>
    %add3A_12 = arith.addf %dot_general3A_8, %add3A : vector<512x128xf32>
    %swap3A = arith.constant 0 : index
    %swap3A_13 = arith.constant 0 : index
    %swap3A_14 = vector.load %arg6[%swap3A, %swap3A_13] : memref<512x128xf32, #tpu.memory_space<vmem>>, vector<512x128xf32>
    tpu.vector_store %arg6[%swap3A, %swap3A_13], %add3A_12 {strides = array<i32>} : memref<512x128xf32, #tpu.memory_space<vmem>>, vector<512x128xf32>,
    %get3A_15 = arith.constant 0 : index
    %get3A_16 = arith.constant 0 : index
    %get3A_17 = vector.load %arg4[%get3A_15, %get3A_16] : memref<256x128xf32, #tpu.memory_space<vmem>>, vector<256x128xf32>
    %dot_general3A_18 = arith.constant dense<0.000000e+00> : vector<512x128xf32>
    %dot_general3A_19 = tpu.matmul %concatenate3A, %get3A_17, %dot_general3A_18 {dimension_numbers = #tpu.dot_dimension_numbers<[1], [0], [0], [1], [0, 0, 1, 1], [], []>, transpose_lhs_hint = false} : vector<512x256xf32>, vector<256x128xf32>, vector<512x128xf32> -> vector<512x128xf32>
    %swap3A_20 = arith.constant 0 : index
    %swap3A_21 = arith.constant 0 : index
    %swap3A_22 = vector.load %arg7[%swap3A_20, %swap3A_21] : memref<512x128xf32, #tpu.memory_space<vmem>>, vector<512x128xf32>
    tpu.vector_store %arg7[%swap3A_20, %swap3A_21], %dot_general3A_19 {strides = array<i32>} : memref<512x128xf32, #tpu.memory_space<vmem>>, vector<512x128xf32>,
    return
  }
  func.func @transform_0(%arg0: i32) -> (i32, i32) {
    %c0_i32 = arith.constant 0 : i32
    %c0_i32_0 = arith.constant 0 : i32
    return %arg0, %c0_i32 : i32, i32
  }
  func.func @transform_1(%arg0: i32) -> (i32, i32) {
    %c0_i32 = arith.constant 0 : i32
    %c0_i32_0 = arith.constant 0 : i32
    return %arg0, %c0_i32 : i32, i32
  }
  func.func @transform_2(%arg0: i32) -> (i32, i32) {
    %c0_i32 = arith.constant 0 : i32
    %c0_i32_0 = arith.constant 0 : i32
    %c0_i32_1 = arith.constant 0 : i32
    return %c0_i32, %c0_i32_0 : i32, i32
  }
  func.func @transform_3(%arg0: i32) -> (i32, i32) {
    %c0_i32 = arith.constant 0 : i32
    %c0_i32_0 = arith.constant 0 : i32
    %c0_i32_1 = arith.constant 0 : i32
    return %c0_i32, %c0_i32_0 : i32, i32
  }
  func.func @transform_4(%arg0: i32) -> (i32, i32) {
    %c0_i32 = arith.constant 0 : i32
    %c0_i32_0 = arith.constant 0 : i32
    %c0_i32_1 = arith.constant 0 : i32
    return %c0_i32, %c0_i32_0 : i32, i32
  }
  func.func @transform_5(%arg0: i32) -> (i32, i32) {
    %c0_i32 = arith.constant 0 : i32
    %c0_i32_0 = arith.constant 0 : i32
    return %arg0, %c0_i32 : i32, i32
  }
  func.func @transform_6(%arg0: i32) -> (i32, i32) {
    %c0_i32 = arith.constant 0 : i32
    %c0_i32_0 = arith.constant 0 : i32
    return %arg0, %c0_i32 : i32, i32
  }
}

module attributes {stable_mosaic.version = 14 : i64} {
  func.func @_combine_body(%arg0: i32, %arg1: memref<512x128xf32, #tpu.memory_space<vmem>>, %arg2: memref<512x128xf32, #tpu.memory_space<vmem>>, %arg3: memref<32x512xf32, #tpu.memory_space<vmem>>, %arg4: memref<512x128xf32, #tpu.memory_space<vmem>>) attributes {dimension_semantics = [#tpu.dimension_semantics<arbitrary>], iteration_bounds = array<i64: 20>, scalar_prefetch = 0 : i64, scratch_operands = 0 : i64, tpu.core_type = #tpu.core_type<tc>, window_params = [{transform_indices = @transform_0, window_bounds = array<i64: 512, 128>}, {transform_indices = @transform_1, window_bounds = array<i64: 512, 128>}, {transform_indices = @transform_2, window_bounds = array<i64: 32, 512>}, {transform_indices = @transform_3, window_bounds = array<i64: 512, 128>}]} {
    %get3A = arith.constant 0 : index
    %get3A_0 = arith.constant 0 : index
    %get3A_1 = vector.load %arg3[%get3A, %get3A_0] : memref<32x512xf32, #tpu.memory_space<vmem>>, vector<32x512xf32>
    %reduce_sum3A = arith.constant dense<0.000000e+00> : vector<512xf32>
    %reduce_sum3A_2 = vector.multi_reduction <add>, %get3A_1, %reduce_sum3A [0] : vector<32x512xf32> to vector<512xf32>
    %broadcast_in_dim3A = vector.shape_cast %reduce_sum3A_2 : vector<512xf32> to vector<512x1xf32>
    %add3A = arith.constant 1.000000e-16 : f32
    %add3A_3 = vector.broadcast %add3A : f32 to vector<512x1xf32>
    %add3A_4 = arith.addf %broadcast_in_dim3A, %add3A_3 : vector<512x1xf32>
    %get3A_5 = arith.constant 0 : index
    %get3A_6 = arith.constant 0 : index
    %get3A_7 = vector.load %arg1[%get3A_5, %get3A_6] : memref<512x128xf32, #tpu.memory_space<vmem>>, vector<512x128xf32>
    %get3A_8 = arith.constant 0 : index
    %get3A_9 = arith.constant 0 : index
    %get3A_10 = vector.load %arg2[%get3A_8, %get3A_9] : memref<512x128xf32, #tpu.memory_space<vmem>>, vector<512x128xf32>
    %add3A_11 = arith.addf %get3A_7, %get3A_10 : vector<512x128xf32>
    %div3A = vector.broadcast %add3A_4 : vector<512x1xf32> to vector<512x128xf32>
    %div3A_12 = arith.divf %add3A_11, %div3A : vector<512x128xf32>
    %swap3A = arith.constant 0 : index
    %swap3A_13 = arith.constant 0 : index
    %swap3A_14 = vector.load %arg4[%swap3A, %swap3A_13] : memref<512x128xf32, #tpu.memory_space<vmem>>, vector<512x128xf32>
    tpu.vector_store %arg4[%swap3A, %swap3A_13], %div3A_12 {strides = array<i32>} : memref<512x128xf32, #tpu.memory_space<vmem>>, vector<512x128xf32>,
    return
  }
  func.func @transform_0(%arg0: i32) -> (i32, i32) {
    %c0_i32 = arith.constant 0 : i32
    %c0_i32_0 = arith.constant 0 : i32
    return %arg0, %c0_i32 : i32, i32
  }
  func.func @transform_1(%arg0: i32) -> (i32, i32) {
    %c0_i32 = arith.constant 0 : i32
    %c0_i32_0 = arith.constant 0 : i32
    return %arg0, %c0_i32 : i32, i32
  }
  func.func @transform_2(%arg0: i32) -> (i32, i32) {
    %c0_i32 = arith.constant 0 : i32
    %c0_i32_0 = arith.constant 0 : i32
    return %c0_i32, %arg0 : i32, i32
  }
  func.func @transform_3(%arg0: i32) -> (i32, i32) {
    %c0_i32 = arith.constant 0 : i32
    %c0_i32_0 = arith.constant 0 : i32
    return %arg0, %c0_i32 : i32, i32
  }
}

</mosaic_0001>

<sc_bundles>
// kernel: kernel.5.cloned.1.call-start
scs
__scs_entry_jumppad:
0x0: {  	(pc) =	sbr.rel $0x88, $3  }
0x1: {  	(tag) =	ssettag $0x0;
	lr =	simm.s32 $0x1  }
0x2: {  	[smem:$0x3F97] =	sst lr;
	_ =	strace $0xD0000000  }
0x3: {  	_ = 	snop  }
0x4: {  	_ = 	snop  }
0x5: {  	_ = 	snop  }
0x6: {  	_ = 	snop  }
0x7: {  	_ = 	snop  }
__scs_overlays_trampoline_lowered:
0x8: {  	[smem:$0x3FA6] =	sst s0  }
0x9: {  	[smem:$0x3FA7] =	sst s1  }
0xa: {  	[smem:$0x3FA8] =	sst s2  }
0xb: {  	[smem:$0x3FA9] =	sst s3  }
0xc: {  	[smem:$0x3FAA] =	sst s4  }
0xd: {  	[smem:$0x3FAB] =	sst s5  }
0xe: {  	[smem:$0x3FAC] =	sst s6  }
0xf: {  	[smem:$0x3FAD] =	sst s7  }
0x10: {  	[smem:$0x3FAE] =	sst s8  }
0x11: {  	[smem:$0x3FAF] =	sst s9;
	s0 =	simm.s32 @!p0 $0x0  }
0x12: {  	s1 =	sld [smem:$0x3F95];
	s0 =	simm.s32 @p0 $0x1  }
0x13: {  	[smem:$0x3FB0] =	sst s0;
	s0 =	simm.s32 @!p1 $0x0  }
0x14: {  	s2 =	sld [smem:$0x3F94];
	s0 =	simm.s32 @p1 $0x1  }
0x15: {  	[smem:$0x3FB1] =	sst s0;
	s0 =	simm.s32 @!p2 $0x0  }
0x16: {  	s3 =	sld [smem:$0x3FDB];
	s0 =	simm.s32 @p2 $0x1  }
0x17: {  	s4 =	simm.s32 $0x1BF5;
	[smem:$0x3FB3] =	sst s0  }
0x18: {  	s0 =	sld [smem:$0x3F96];
	_ =	swait.ge [sflag:s4], $0x0  }
0x19: {  	s7 =	sld [smem:$0x3F97]  }
0x1a: {  	s8 =	sadd.s32 $0xFFFFE003, lr  }
0x1b: {  	s9 =	sadd.s32 $0xFFFFFEF7, lr;
	s5 =	simm.s32 $0xFFFFFFFF;
	p2 =	slt.u32 s8, $0xFFFFF086  }
0x1c: {  	p1 =	slt.u32 s9, $0xF7A;
	s5 =	simm.s32 @!p2 $0x0  }
0x1d: {  	s5 =	simm.s32 @p1 $0x1;
	p0 =	seq.s32 s7, s2  }
0x1e: {  	s7 =	smul.u32 @!p0 $0xF7A, s2;
	p2 =	seq.s32 @!p0 s5, $0x0  }
0x1f: {  	s9 =	smul.u32 $0xF7A, s1;
	s8 =	simm.s32 @!p0 $0x1BF5;
	p2 =	por !p2, p0  }
0x20: {  	[sflag:s8] =	ssyncset.s32 @!p0 $0xFFFFF086;
	s6 =	sadd.s32 @!p0 s3, s7;
	s7 =	simm.s32 @!p0 $0x108  }
0x21: {  	s3 =	sadd.s32 s3, s9;
	s6 =	sadd.s32 @!p0 $0x88, s6;
	s7 =	simm.s32 @p2 $0x1082  }
0x22: {  	[simem:s7], [sflag:s8] =	dma.local @!p0 [hbm:s6], $0xF7A  }
0x23: {  	s9 =	sor.u32 $0xD0000000, s2;
	s6 =	simm.s32 $0x108;
	_ =	swait.ge @!p0 [sflag:s8], $0x0  }
0x24: {  	s3 =	sadd.s32 $0x88, s3;
	s6 =	simm.s32 @!p1 $0x1082;
	[sflag:s4] =	ssyncset.s32 $0xFFFFF086  }
0x25: {  	[simem:s6], [sflag:s4] =	dma.local [hbm:s3], $0xF7A  }
0x26: {  	[smem:$0x3F97] =	sst s1;
	(tag) =	ssettag s2;
	_ =	strace s9  }
0x27: {  	s1 =	sld [smem:$0x3FA7]  }
0x28: {  	s2 =	sld [smem:$0x3FA8]  }
0x29: {  	s4 =	sld [smem:$0x3FAA]  }
0x2a: {  	p0 =	seq.s32 s5, $0x0;
	s5 =	sld [smem:$0x3FAB]  }
0x2b: {  	s6 =	sld [smem:$0x3FAC]  }
0x2c: {  	s7 =	sld [smem:$0x3FAD]  }
0x2d: {  	s3 =	simm.s32 $0x108;
	s8 =	sld [smem:$0x3FAE]  }
0x2e: {  	s3 =	simm.s32 @!p0 $0x1082;
	s9 =	sld [smem:$0x3FAF]  }
0x2f: {  	lr =	sadd.s32 s0, s3;
	s0 =	sld [smem:$0x3FA6]  }
0x30: {  	s3 =	sld [smem:$0x3FA9]  }
0x31: {  	[smem:$0x3FB2] =	sst s10  }
0x32: {  	s10 =	sld [smem:$0x3FB0];
	_ =	sdelay $0x3  }
0x33: {  	p0 =	seq.s32 s10, $0x1;
	s10 =	sld [smem:$0x3FB2];
	_ =	sdelay $0x3  }
0x34: {  	[smem:$0x3FB2] =	sst s10  }
0x35: {  	s10 =	sld [smem:$0x3FB1];
	_ =	sdelay $0x3  }
0x36: {  	p1 =	seq.s32 s10, $0x1;
	s10 =	sld [smem:$0x3FB2];
	_ =	sdelay $0x3  }
0x37: {  	[smem:$0x3FB2] =	sst s10  }
0x38: {  	s10 =	sld [smem:$0x3FB3]  }
0x39: {  	_ = 	snop;
	(pc) =	sbr.ind lr, $3  }
0x3a: {  	_ = 	snop  }
0x3b: {  	_ = 	snop  }
0x3c: {  	p2 =	seq.s32 s10, $0x1;
	s10 =	sld [smem:$0x3FB2]  }
0x3d: {  	_ =	shalt  }
0x3e: {  	_ =	shalt  }
0x3f: {  	_ =	shalt  }
0x40: {  	_ =	shalt  }
0x41: {  	_ =	shalt  }
0x42: {  	_ =	shalt  }
0x43: {  	_ =	shalt  }
0x44: {  	_ =	shalt  }
0x45: {  	_ =	shalt  }
0x46: {  	_ =	shalt  }
0x47: {  	_ =	shalt  }
0x48: {  	_ =	shalt  }
0x49: {  	_ =	shalt  }
0x4a: {  	_ =	shalt  }
0x4b: {  	_ =	shalt  }
0x4c: {  	_ =	shalt  }
0x4d: {  	_ =	shalt  }
0x4e: {  	_ =	shalt  }
0x4f: {  	_ =	shalt  }
0x50: {  	_ =	shalt  }
0x51: {  	_ =	shalt  }
0x52: {  	_ =	shalt  }
0x53: {  	_ =	shalt  }
0x54: {  	_ =	shalt  }
0x55: {  	_ =	shalt  }
0x56: {  	_ =	shalt  }
0x57: {  	_ =	shalt  }
0x58: {  	_ =	shalt  }
0x59: {  	_ =	shalt  }
0x5a: {  	_ =	shalt  }
0x5b: {  	_ =	shalt  }
0x5c: {  	_ =	shalt  }
0x5d: {  	_ =	shalt  }
0x5e: {  	_ =	shalt  }
0x5f: {  	_ =	shalt  }
0x60: {  	_ =	shalt  }
0x61: {  	_ =	shalt  }
0x62: {  	_ =	shalt  }
0x63: {  	_ =	shalt  }
0x64: {  	_ =	shalt  }
0x65: {  	_ =	shalt  }
0x66: {  	_ =	shalt  }
0x67: {  	_ =	shalt  }
0x68: {  	_ =	shalt  }
0x69: {  	_ =	shalt  }
0x6a: {  	_ =	shalt  }
0x6b: {  	_ =	shalt  }
0x6c: {  	_ =	shalt  }
0x6d: {  	_ =	shalt  }
0x6e: {  	_ =	shalt  }
0x6f: {  	_ =	shalt  }
0x70: {  	_ =	shalt  }
0x71: {  	_ =	shalt  }
0x72: {  	_ =	shalt  }
0x73: {  	_ =	shalt  }
0x74: {  	_ =	shalt  }
0x75: {  	_ =	shalt  }
0x76: {  	_ =	shalt  }
0x77: {  	_ =	shalt  }
0x78: {  	_ =	shalt  }
0x79: {  	_ =	shalt  }
0x7a: {  	_ =	shalt  }
0x7b: {  	_ =	shalt  }
0x7c: {  	_ =	shalt  }
0x7d: {  	_ =	shalt  }
0x7e: {  	_ =	shalt  }
0x7f: {  	_ =	shalt  }
0x80: {  	_ =	shalt  }
0x81: {  	_ =	shalt  }
0x82: {  	_ =	shalt  }
0x83: {  	_ =	shalt  }
0x84: {  	_ =	shalt  }
0x85: {  	_ =	shalt  }
0x86: {  	_ =	shalt  }
0x87: {  	_ =	shalt  }
.Lfunc_end0:
.L_simem_size_0:
called_computation_lowered:
.L_overlay_start_0:
0x88: {  	s2 =	sld [smem:$0x3FD9]  }
0x89: {  	s3 =	sld [smem:$0x3FFE];
	_ =	sdelay $0x1  }
0x8a: {  	s1 =	srdreg.scid  }
0x8b: {  	s0 =	sand.u32 $0x1, s1  }
0x8c: {  	s17 =	sshll.u32 s0, $0xA;
	s2 =	sadd.s32 s3, s2  }
0x8d: {  	s2 =	sadd.s32 s2, s17  }
0x8e: {  	[smem:$0x3FBE] =	sst s2  }
0x8f: {  	_ = 	snop  }
0x90: {  	s2 =	sld [smem:$0x3FC1]  }
0x91: {  	s18 =	sld [smem:$0x3FD0];
	(tm) =	ssettm $0x1  }
0x92: {  	s4 =	sld [smem:$0x3FFB];
	_ =	sdelay $0x3  }
0x93: {  	_ =	strace s4  }
0x94: {  	s4 =	sld [smem:$0x3FFC];
	_ =	sdelay $0x3  }
0x95: {  	_ =	strace s4  }
0x96: {  	s4 =	sld [smem:$0x3FFD];
	_ =	sdelay $0x3  }
0x97: {  	_ =	strace s4  }
0x98: {  	_ =	strace $0x8FFFFFFF  }
0x99: {  	s19 =	sld [smem:$0x3FDB];
	_ =	sdelay $0x1  }
0x9a: {  	s5 =	simm.s32 $_scs_section_size  }
0x9b: {  	s6 =	simm.s32 $_size__tile_overlayer_lowered;
	s7 =	simm.s32 $_tile_overlayer_lowered  }
0x9c: {  	s22 =	simm.s32 $0x1BFF;
	s21 =	sshll.u32 s7, $0x1;
	s4 =	sadd.s32 s5, s19  }
0x9d: {  	s8 =	simm.s32 $0x0;
	s20 =	sshll.u32 s6, $0x1;
	s6 =	sadd.s32 s21, s4  }
0x9e: {  	[timem:s8], [sflag:s22] =	dma.local [hbm:s6], s20  }
0x9f: {  	_ =	swait.ge [sflag:s22], s20  }
0xa0: {  	s5 =	ssub.s32 $0x0, s20;
	[sflag:s22] =	ssyncset.done $0x0  }
0xa1: {  	[sflag:s22] =	ssyncadd.s32 s5;
	_ =	sdelay $0x1  }
0xa2: {  	s23 =	simm.s32 $0x1B8B  }
0xa3: {  	_ =	swait.ge [sflag:s23], $0x1  }
0xa4: {  	[sflag:s23] =	ssyncset.done $0x0  }
0xa5: {  	s25 =	simm.s32 $0x1B8E;
	s24 =	sld [smem:$0x3FFE];
	[sflag:s23] =	ssyncadd.s32 $0xFFFFFFFF  }
0xa6: {  	s26 =	simm.s32 $execute0_lowered;
	[smem:$0x3FD2] =	sst s25  }
0xa7: {  	s6 =	sshll.u32 s26, $0x1;
	_ =	strace $0x80000046;
	[dreg:$0x1] =	wrdreg $0xFFFFFFFF  }
0xa8: {  	s28 =	simm.s32 $_size_execute0_lowered;
	s4 =	sadd.s32 s4, s6;
	[dreg:$0x0] =	wrdreg $0x0  }
0xa9: {  	s6 =	sshll.u32 s28, $0x1;
	[dreg:$0x2] =	wrdreg s4  }
0xaa: {  	[dreg:$0x3] =	wrdreg s6  }
0xab: {  	[dreg:$0x4] =	wrdreg $0xC0  }
0xac: {  	_ =	task [dreg:s8], $0x5FFFF  }
0xad: {  	[dreg:$0x1] =	wrdreg $0xFFFFFFFF  }
0xae: {  	[dreg:$0x0] =	wrdreg $0x60  }
0xaf: {  	[dreg:$0x2] =	wrdreg s24  }
0xb0: {  	[dreg:$0x3] =	wrdreg s18  }
0xb1: {  	[dreg:$0x4] =	wrdreg s2  }
0xb2: {  	[dreg:$0x5] =	wrdreg $0xAA800  }
0xb3: {  	[dreg:$0x6] =	wrdreg $0x9  }
0xb4: {  	_ =	task.clear_ibuf [dreg:s8], $0x7FFFF;
	_ =	strace $0x90000046  }
0xb5: {  	s29 =	simm.s32 $0x9;
	_ =	strace $0x80000048  }
0xb6: {  	_ =	swait.ge [sflag:s29], $0x1  }
0xb7: {  	[sflag:s29] =	ssyncadd.s32 $0xFFFFFFFF  }
0xb8: {  	_ =	strace $0x90000048  }
0xb9: {  	_ =	sfence  }
0xba: {  	s30 =	sld [smem:$0x0];
	_ =	sdelay $0x2  }
0xbb: {  	s31 =	sshll.u32 s1, $0xD;
	s1 =	sshrl.u32 s1, $0x2  }
0xbc: {  	s3 =	sand.u32 $0x4000, s31;
	s1 =	sadd.s32 s1, s30  }
0xbd: {  	s0 =	sor.u32 s3, s0;
	s1 =	sshll.u32 s1, $0x11  }
0xbe: {  	s0 =	sor.u32 s1, s0  }
0xbf: {  	s0 =	sadd.s32 $0x8F2B, s0  }
0xc0: {  	[sflag:s0] =	ssyncadd.remote.s32 $0x1  }
0xc1: {  	_ =	sfence.sel $0xFFFF  }
0xc2: {  	[dreg:$0x0] =	wrdreg $0xFFFFFFFF;
	(pc) =	sbr.abs _section_cstart, $3  }
0xc3: {  	[dreg:$0x1] =	wrdreg $0xFFFFFFFF  }
0xc4: {  	_ =	task.clear_ibuf [dreg:s8], $0x2FFFF;
	_ =	strace $0x9FFFFFFF  }
0xc5: {  	(tm) =	ssettm $0x7FFFFFFF  }
tec
execute0_lowered:
.L_overlay_start_1:
0x0: {  	(tag) =	ssettag $0x1  }
0x1: {  	s0 =	rddreg [dreg:$0x0]  }
0x2: {  	s1 =	rddreg [dreg:$0x1];
	s2 =	simm.s32 $0x0;
	s3 =	srdreg.scid  }
0x3: {  	s17 =	stileid.u32;
	s28 =	simm.s32 $0x2;
	s29 =	simm.s32 $0x100  }
0x4: {  	s30 =	simm.s32 $0x6180;
	s31 =	simm.s32 $0x8180;
	s4 =	sand.u32 $0x1, s3  }
0x5: {  	s21 =	sshll.u32 s17, $0x1;
	s5 =	sshrl.u32 s17, $0x2;
	s8 =	smul.u32 $0x14000, s17  }
0x6: {  	[smem:$0x7FF] =	sst s2;
	s6 =	sadd.s32 $0x78E00, s0;
	s5 =	smul.u32 $0x14000, s5  }
0x7: {  	s3 =	sor.u32 s4, s21;
	s9 =	ssub.s32 $0x2, s4;
	s4 =	smul.u32 $0x140000, s4  }
0x8: {  	s7 =	sshll.u32 s3, $0x7;
	s22 =	sshrl.u32 s9, $0x1;
	s10 =	sor.u32 $0x2000, s8  }
0x9: {  	s12 =	sadd.s32 $0x4000, s8;
	s13 =	sadd.s32 $0x8000, s8;
	s16 =	sadd.s32 $0xA000, s8  }
0xa: {  	s20 =	sadd.s32 $0xE000, s8;
	s7 =	sand.u32 $0x380, s7;
	s23 =	sadd.s32 s4, s8  }
0xb: {  	s11 =	sadd.s32 s4, s10;
	s25 =	sadd.s32 s4, s12;
	s14 =	sadd.s32 s4, s13  }
0xc: {  	s15 =	sadd.s32 s4, s16;
	s5 =	sor.u32 s5, s7;
	s7 =	ssub.s32 s9, s22  }
0xd: {  	s9 =	sshrl.u32 s23, $0x3;
	s11 =	sshrl.u32 s11, $0x3;
	s14 =	sshrl.u32 s14, $0x3  }
0xe: {  	s22 =	sadd.s32 $0x10000, s8;
	s23 =	smul.u32 $0x50000, s17;
	s17 =	sadd.s32 $0x28E00, s0  }
0xf: {  	s9 =	sadd.s32 s6, s9;
	s24 =	sadd.s32 s6, s11;
	s11 =	sadd.s32 $0x6000, s8  }
0x10: {  	s14 =	sadd.s32 s6, s14;
	s21 =	sadd.s32 s4, s22;
	[dreg:$0x5] =	wrdreg s9  }
0x11: {  	s7 =	smax.u32 s7, $0x1;
	[dreg:$0x6] =	wrdreg s24;
	s9 =	sshrl.u32 s25, $0x3  }
0x12: {  	s26 =	sadd.s32 s4, s11;
	[dreg:$0x9] =	wrdreg s14;
	s14 =	sadd.s32 $0xC000, s8  }
0x13: {  	s8 =	sadd.s32 $0x12000, s8;
	s24 =	sshrl.u32 s5, $0x3;
	s9 =	sadd.s32 s6, s9  }
0x14: {  	s25 =	sshrl.u32 s23, $0x2;
	[dreg:$0x7] =	wrdreg s9;
	s9 =	sshrl.u32 s26, $0x3  }
0x15: {  	s18 =	sadd.s32 s4, s14;
	s26 =	smul.u32 $0x18, s3;
	s9 =	sadd.s32 s6, s9  }
0x16: {  	[dreg:$0x8] =	wrdreg s9;
	s9 =	sshrl.u32 s15, $0x3;
	s15 =	sadd.s32 s4, s20  }
0x17: {  	s4 =	sadd.s32 s4, s8;
	s5 =	sadd.s32 s1, s26;
	s9 =	sadd.s32 s6, s9  }
0x18: {  	s15 =	sshrl.u32 s15, $0x3;
	s4 =	sshrl.u32 s4, $0x3;
	[dreg:$0xa] =	wrdreg s9  }
0x19: {  	s9 =	sshrl.u32 s18, $0x3;
	s19 =	sadd.s32 s6, s15;
	s15 =	rddreg [dreg:$0x3]  }
0x1a: {  	s4 =	sadd.s32 s6, s4;
	s9 =	sadd.s32 s6, s9;
	[dreg:$0xc] =	wrdreg s19  }
0x1b: {  	s18 =	sadd.s32 $0x50E00, s0;
	[dreg:$0xb] =	wrdreg s9;
	s9 =	sshrl.u32 s21, $0x3  }
0x1c: {  	[dreg:$0xe] =	wrdreg s4;
	s4 =	sadd.s32 s24, s0;
	s9 =	sadd.s32 s6, s9  }
0x1d: {  	s19 =	sadd.s32 $0xE00, s0;
	s0 =	sadd.s32 $0x800, s0;
	[dreg:$0xd] =	wrdreg s9  }
0x1e: {  	s23 =	sadd.s32 s16, s15;
	_ =	strace $0x80000047;
	[dreg:$0xf] =	wrdreg s0  }
0x1f: {  	s24 =	sadd.s32 s14, s15;
	s6 =	sadd.s32 $0xC8E00, s4;
	[dreg:$0x10] =	wrdreg s5  }
0x20: {  	s21 =	sadd.s32 s25, s15;
	s25 =	sadd.s32 s20, s15;
	[dreg:$0x11] =	wrdreg s6  }
0x21: {  	s26 =	sadd.s32 s22, s15;
	s14 =	sshrl.u32 s25, $0x3;
	[dreg:$0x12] =	wrdreg s7  }
0x22: {  	s8 =	sadd.s32 s8, s15;
	s16 =	sshrl.u32 s26, $0x3;
	[dreg:$0x19] =	wrdreg s14  }
0x23: {  	s13 =	sadd.s32 s13, s15;
	s20 =	sshrl.u32 s8, $0x3;
	[dreg:$0x1a] =	wrdreg s16  }
0x24: {  	s22 =	sadd.s32 $0x2000, s21;
	s25 =	sadd.s32 $0x8000, s21;
	[dreg:$0x1b] =	wrdreg s20  }
0x25: {  	s26 =	sadd.s32 $0xA000, s21;
	s9 =	sadd.s32 s10, s15;
	[dreg:$0x1c] =	wrdreg s22  }
0x26: {  	s10 =	sadd.s32 s12, s15;
	s12 =	sadd.s32 s11, s15;
	[dreg:$0x1f] =	wrdreg s25  }
0x27: {  	s11 =	sadd.s32 $0x10000, s21;
	s0 =	sshrl.u32 s9, $0x3;
	[smem:$0x7FD] =	sst s26  }
0x28: {  	s4 =	sshrl.u32 s10, $0x3;
	s5 =	sshrl.u32 s12, $0x3;
	[dreg:$0x13] =	wrdreg s0  }
0x29: {  	s6 =	sshrl.u32 s13, $0x3;
	s12 =	sshrl.u32 s23, $0x3;
	[dreg:$0x14] =	wrdreg s4  }
0x2a: {  	s13 =	sshrl.u32 s24, $0x3;
	s23 =	sadd.s32 $0x4000, s21;
	[dreg:$0x15] =	wrdreg s5  }
0x2b: {  	s24 =	sadd.s32 $0x6000, s21;
	s9 =	sadd.s32 $0xC000, s21;
	[dreg:$0x16] =	wrdreg s6  }
.Ltmp0:
0x2c: {  	s10 =	sadd.s32 $0xE000, s21;
	[dreg:$0x17] =	wrdreg s12;
	(pc) =	sbr.rel .LBB2_1-.Ltmp0, $4  }
0x2d: {  	v0 =	vlaneseq.u32;
	s14 =	sadd.s32 $0x12000, s21;
	s16 =	simm.s32 $0x4;
	[dreg:$0x18] =	wrdreg s13  }
0x2e: {  	v0 =	vmul.u32 $0x80, v0;
	s20 =	simm.s32 $0x4180;
	s22 =	simm.s32 $0x3;
	[dreg:$0x1d] =	wrdreg s23  }
0x2f: {  	v1 =	vimm.f32 $0.0e+00;
	s25 =	simm.s32 $0x2180;
	s26 =	simm.s32 $0x1;
	[dreg:$0x1e] =	wrdreg s24  }
0x30: {  	v2 =	vor.u32 $0x800, v0;
	v3 =	vor.u32 $0x1000, v0;
	v4 =	vor.u32 $0x1800, v0;
	s23 =	simm.s32 $0x40;
	s24 =	simm.s32 $0x180;
	s12 =	simm.s32 $0x0  }
.LBB2_13:
0x31: {  	s0 =	stileid.u32  }
0x32: {  	[bflag:$0x0] =	sbarrier.arrive $0xFFFF;
	s0 =	sshll.u32 s0, $0x6  }
0x33: {  	s4 =	sshrl.u32 s21, $0x3;
	s5 =	rddreg [dreg:$0x5];
	s0 =	sor.u32 $0x1C04, s0  }
0x34: {  	[hbm:s5], [sflag:s0] =	dma.local [spmem:s4], $0x400  }
0x35: {  	_ =	swait.ge [sflag:s16], $0x400  }
0x36: {  	[sflag:s16] =	ssyncset.done $0x0;
	s8 =	rddreg [dreg:$0x6]  }
0x37: {  	s13 =	rddreg [dreg:$0x13];
	[sflag:s16] =	ssyncadd.s32 $0xFFFFFC00  }
0x38: {  	[hbm:s8], [sflag:s0] =	dma.local [spmem:s13], $0x400  }
0x39: {  	_ =	swait.ge [sflag:s16], $0x400  }
0x3a: {  	[sflag:s16] =	ssyncset.done $0x0;
	s6 =	rddreg [dreg:$0x7]  }
0x3b: {  	s7 =	rddreg [dreg:$0x14];
	[sflag:s16] =	ssyncadd.s32 $0xFFFFFC00  }
0x3c: {  	[hbm:s6], [sflag:s0] =	dma.local [spmem:s7], $0x400  }
0x3d: {  	_ =	swait.ge [sflag:s16], $0x400  }
0x3e: {  	[sflag:s16] =	ssyncset.done $0x0;
	s8 =	rddreg [dreg:$0x8]  }
0x3f: {  	s13 =	rddreg [dreg:$0x15];
	[sflag:s16] =	ssyncadd.s32 $0xFFFFFC00  }
0x40: {  	[hbm:s8], [sflag:s0] =	dma.local [spmem:s13], $0x400  }
0x41: {  	_ =	swait.ge [sflag:s16], $0x400  }
0x42: {  	[sflag:s16] =	ssyncset.done $0x0;
	s6 =	rddreg [dreg:$0x9]  }
0x43: {  	s7 =	rddreg [dreg:$0x16];
	[sflag:s16] =	ssyncadd.s32 $0xFFFFFC00  }
0x44: {  	[hbm:s6], [sflag:s0] =	dma.local [spmem:s7], $0x400  }
0x45: {  	_ =	swait.ge [sflag:s16], $0x400  }
0x46: {  	[sflag:s16] =	ssyncset.done $0x0;
	s8 =	rddreg [dreg:$0xa]  }
0x47: {  	s13 =	rddreg [dreg:$0x17];
	[sflag:s16] =	ssyncadd.s32 $0xFFFFFC00  }
0x48: {  	[hbm:s8], [sflag:s0] =	dma.local [spmem:s13], $0x400  }
0x49: {  	_ =	swait.ge [sflag:s16], $0x400  }
0x4a: {  	[sflag:s16] =	ssyncset.done $0x0;
	s6 =	rddreg [dreg:$0xb]  }
0x4b: {  	s7 =	rddreg [dreg:$0x18];
	[sflag:s16] =	ssyncadd.s32 $0xFFFFFC00  }
0x4c: {  	[hbm:s6], [sflag:s0] =	dma.local [spmem:s7], $0x400  }
0x4d: {  	_ =	swait.ge [sflag:s16], $0x400  }
0x4e: {  	[sflag:s16] =	ssyncset.done $0x0;
	s8 =	rddreg [dreg:$0xc]  }
0x4f: {  	s13 =	rddreg [dreg:$0x19];
	[sflag:s16] =	ssyncadd.s32 $0xFFFFFC00  }
0x50: {  	[hbm:s8], [sflag:s0] =	dma.local [spmem:s13], $0x400  }
0x51: {  	_ =	swait.ge [sflag:s16], $0x400  }
0x52: {  	[sflag:s16] =	ssyncset.done $0x0;
	s6 =	rddreg [dreg:$0xd]  }
0x53: {  	s7 =	rddreg [dreg:$0x1a];
	[sflag:s16] =	ssyncadd.s32 $0xFFFFFC00  }
0x54: {  	[hbm:s6], [sflag:s0] =	dma.local [spmem:s7], $0x400  }
0x55: {  	_ =	swait.ge [sflag:s16], $0x400  }
0x56: {  	[sflag:s16] =	ssyncset.done $0x0;
	s8 =	rddreg [dreg:$0xe]  }
0x57: {  	s13 =	rddreg [dreg:$0x1b];
	[sflag:s16] =	ssyncadd.s32 $0xFFFFFC00  }
0x58: {  	[hbm:s8], [sflag:s0] =	dma.local [spmem:s13], $0x400  }
0x59: {  	_ =	swait.ge [sflag:s16], $0x400  }
0x5a: {  	s7 =	simm.s32 $0x80;
	[sflag:s16] =	ssyncset.done $0x0  }
0x5b: {  	s8 =	simm.s32 $0x400;
	s6 =	rddreg [dreg:$0x11];
	[sflag:s16] =	ssyncadd.s32 $0xFFFFFC00  }
0x5c: {  	[hbm4b:s6+s7] =	stream.strided.scatter [tilespmem:s31], [sflag:$0x4], $0x2800, s8, s7, $0x38;
	[tilespmem:$0x1EA80] =	vst v63  }
0x5d: {  	_ =	swait.ge [sflag:s16], $0x2800  }
0x5e: {  	s12 =	sadd.s32 $0x1, s12;
	s13 =	rddreg [dreg:$0x12]  }
0x5f: {  	p0 =	sne.s32 s12, s13  }
.Ltmp1:
0x60: {  	_ = 	snop;
	(pc) =	sbr.rel @!p0 .LBB2_14-.Ltmp1, $3  }
0x61: {  	_ =	sdelay $0x1  }
0x62: {  	[sflag:s16] =	ssyncset.done $0x0  }
0x63: {  	[sflag:s16] =	ssyncadd.s32 $0xFFFFD800  }
.LBB2_1:
0x64: {  	s0 =	rddreg [dreg:$0x2];
	s4 =	simm.s32 $0xA980  }
0x65: {  	[tilespmem:s4], [sflag:$0x4] =	stream.linear.gather [hbm4b:s0+s2], $0x80, $0x38;
	[tilespmem:$0x1EA80] =	vst v63  }
0x66: {  	_ =	swait.ge [sflag:s16], $0x80  }
0x67: {  	[sflag:s16] =	ssyncset.done $0x0  }
0x68: {  	s13 =	simm.s32 $0xAA00;
	s8 =	rddreg [dreg:$0xf];
	[sflag:s16] =	ssyncadd.s32 $0xFFFFFF80  }
0x69: {  	[tilespmem:s13], [sflag:$0x4] =	stream.linear.gather [hbm4b:s8+s2], $0x80, $0x38;
	[tilespmem:$0x1EA80] =	vst v63  }
0x6a: {  	_ =	swait.ge [sflag:s16], $0x80  }
0x6b: {  	[sflag:s16] =	ssyncset.done $0x0  }
0x6c: {  	s0 =	simm.s32 $0x0;
	[sflag:s16] =	ssyncadd.s32 $0xFFFFFF80  }
.LBB2_2:
0x6d: {  	p0 =	sne.s32 s0, $0x9FC0  }
.Ltmp2:
0x6e: {  	_ = 	snop;
	(pc) =	sbr.rel @p0 .LBB2_2-.Ltmp2, $3  }
0x6f: {  	_ =	sdelay $0x1  }
0x70: {  	s4 =	sshra.s32 s0, $0x2  }
0x71: {  	s0 =	sadd.s32 $0x40, s0;
	[tilespmem:s4+$0x8180] =	vst v1  }
0x72: {  	s0 =	simm.s32 $0x0;
	s4 =	simm.s32 $0x200  }
.LBB2_4:
0x73: {  	p0 =	sne.s32 s4, $0x7E00;
	[tilespmem:s0+$0x41F0] =	vst v1  }
0x74: {  	[tilespmem:s0+$0x4180] =	vst v1  }
0x75: {  	[tilespmem:s0+$0x4190] =	vst v1  }
.Ltmp3:
0x76: {  	[tilespmem:s0+$0x41A0] =	vst v1;
	(pc) =	sbr.rel @p0 .LBB2_4-.Ltmp3, $4  }
0x77: {  	[tilespmem:s0+$0x41B0] =	vst v1  }
0x78: {  	[tilespmem:s0+$0x41C0] =	vst v1  }
0x79: {  	[tilespmem:s0+$0x41D0] =	vst v1  }
0x7a: {  	[tilespmem:s0+$0x41E0] =	vst v1;
	s0 =	sshra.s32 s4, $0x2;
	s4 =	sadd.s32 $0x200, s4  }
0x7b: {  	[tilespmem:s0+$0x41F0] =	vst v1  }
0x7c: {  	[tilespmem:s0+$0x4180] =	vst v1  }
0x7d: {  	[tilespmem:s0+$0x4190] =	vst v1  }
0x7e: {  	[tilespmem:s0+$0x41A0] =	vst v1  }
0x7f: {  	[tilespmem:s0+$0x41B0] =	vst v1  }
0x80: {  	[tilespmem:s0+$0x41C0] =	vst v1  }
0x81: {  	[tilespmem:s0+$0x41D0] =	vst v1  }
0x82: {  	[tilespmem:s0+$0x41E0] =	vst v1  }
0x83: {  	[spmem:s21] =	stream.linear.scatter [tilespmem:s20], [sflag:$0x4], $0x2000, $0x38;
	[tilespmem:$0x1EA80] =	vst v63  }
0x84: {  	_ =	swait.ge [sflag:s16], $0x2000  }
0x85: {  	[sflag:s16] =	ssyncset.done $0x0  }
0x86: {  	s13 =	rddreg [dreg:$0x1c];
	[sflag:s16] =	ssyncadd.s32 $0xFFFFE000  }
0x87: {  	[spmem:s13] =	stream.linear.scatter [tilespmem:s20], [sflag:$0x4], $0x2000, $0x38;
	[tilespmem:$0x1EA80] =	vst v63  }
0x88: {  	_ =	swait.ge [sflag:s16], $0x2000  }
0x89: {  	[sflag:s16] =	ssyncset.done $0x0  }
0x8a: {  	s4 =	rddreg [dreg:$0x1d];
	[sflag:s16] =	ssyncadd.s32 $0xFFFFE000  }
0x8b: {  	[spmem:s4] =	stream.linear.scatter [tilespmem:s20], [sflag:$0x4], $0x2000, $0x38;
	[tilespmem:$0x1EA80] =	vst v63  }
0x8c: {  	_ =	swait.ge [sflag:s16], $0x2000  }
0x8d: {  	[sflag:s16] =	ssyncset.done $0x0  }
0x8e: {  	s5 =	rddreg [dreg:$0x1e];
	[sflag:s16] =	ssyncadd.s32 $0xFFFFE000  }
0x8f: {  	[spmem:s5] =	stream.linear.scatter [tilespmem:s20], [sflag:$0x4], $0x2000, $0x38;
	[tilespmem:$0x1EA80] =	vst v63  }
0x90: {  	_ =	swait.ge [sflag:s16], $0x2000  }
0x91: {  	[sflag:s16] =	ssyncset.done $0x0  }
0x92: {  	s6 =	rddreg [dreg:$0x1f];
	[sflag:s16] =	ssyncadd.s32 $0xFFFFE000  }
0x93: {  	[spmem:s6] =	stream.linear.scatter [tilespmem:s20], [sflag:$0x4], $0x2000, $0x38;
	[tilespmem:$0x1EA80] =	vst v63  }
0x94: {  	_ =	swait.ge [sflag:s16], $0x2000  }
0x95: {  	s7 =	sld [smem:$0x7FD]  }
0x96: {  	[sflag:s16] =	ssyncset.done $0x0  }
0x97: {  	[sflag:s16] =	ssyncadd.s32 $0xFFFFE000  }
0x98: {  	[spmem:s7] =	stream.linear.scatter [tilespmem:s20], [sflag:$0x4], $0x2000, $0x38;
	[tilespmem:$0x1EA80] =	vst v63  }
0x99: {  	_ =	swait.ge [sflag:s16], $0x2000  }
0x9a: {  	[sflag:s16] =	ssyncset.done $0x0  }
0x9b: {  	[sflag:s16] =	ssyncadd.s32 $0xFFFFE000  }
0x9c: {  	[spmem:s9] =	stream.linear.scatter [tilespmem:s20], [sflag:$0x4], $0x2000, $0x38;
	[tilespmem:$0x1EA80] =	vst v63  }
0x9d: {  	_ =	swait.ge [sflag:s16], $0x2000  }
0x9e: {  	[sflag:s16] =	ssyncset.done $0x0  }
0x9f: {  	[sflag:s16] =	ssyncadd.s32 $0xFFFFE000  }
0xa0: {  	[spmem:s10] =	stream.linear.scatter [tilespmem:s20], [sflag:$0x4], $0x2000, $0x38;
	[tilespmem:$0x1EA80] =	vst v63  }
0xa1: {  	_ =	swait.ge [sflag:s16], $0x2000  }
0xa2: {  	[sflag:s16] =	ssyncset.done $0x0  }
0xa3: {  	[sflag:s16] =	ssyncadd.s32 $0xFFFFE000  }
0xa4: {  	[spmem:s11] =	stream.linear.scatter [tilespmem:s20], [sflag:$0x4], $0x2000, $0x38;
	[tilespmem:$0x1EA80] =	vst v63  }
0xa5: {  	_ =	swait.ge [sflag:s16], $0x2000  }
0xa6: {  	[sflag:s16] =	ssyncset.done $0x0  }
0xa7: {  	[sflag:s16] =	ssyncadd.s32 $0xFFFFE000  }
0xa8: {  	[spmem:s14] =	stream.linear.scatter [tilespmem:s20], [sflag:$0x4], $0x2000, $0x38;
	[tilespmem:$0x1EA80] =	vst v63  }
0xa9: {  	_ =	swait.ge [sflag:s16], $0x2000  }
0xaa: {  	[sflag:s16] =	ssyncset.done $0x0  }
0xab: {  	[sflag:s16] =	ssyncadd.s32 $0xFFFFE000  }
0xac: {  	[bflag:$0x0] =	sbarrier.arrive $0xFFFF  }
.Ltmp4:
0xad: {  	v6 =	vld [tilespmem:$0xA980];
	(pc) =	sbr.rel .LBB2_6-.Ltmp4, $3  }
0xae: {  	_ =	sdelay $0x1  }
0xaf: {  	s13 =	simm.s32 $0x0;
	s8 =	rddreg [dreg:$0x10]  }
0xb0: {  	v5 =	vld [tilespmem:$0xAA00];
	[tilespmem:s13], [sflag:$0x3] =	stream.linear.gather [hbm4b:s8+s13], $0xC0, $0x38  }
.LBB2_12:
0xb1: {  	s13 =	sadd.s32 $0x1, s13  }
0xb2: {  	p0 =	sne.s32 s13, $0x4F  }
.Ltmp5:
0xb3: {  	_ = 	snop;
	(pc) =	sbr.rel @!p0 .LBB2_13-.Ltmp5, $1  }
0xb4: {  	_ =	sdelay $0x3  }
.LBB2_6:
0xb5: {  	s0 =	sshll.u32 s13, $0x5  }
0xb6: {  	s0 =	sor.u32 s3, s0  }
0xb7: {  	p0 =	sgt.u32 s0, $0x9C3  }
.Ltmp6:
0xb8: {  	_ = 	snop;
	(pc) =	sbr.rel @p0 .LBB2_12-.Ltmp6, $1  }
0xb9: {  	_ =	sdelay $0x3  }
0xba: {  	_ =	swait.ge [sflag:s22], $0xC0  }
0xbb: {  	[sflag:s22] =	ssyncset.done $0x0  }
0xbc: {  	s4 =	simm.s32 $0x0;
	[sflag:s22] =	ssyncadd.s32 $0xFFFFFF40  }
0xbd: {  	[tilespmem:s20], [sflag:$0x2] =	stream.indirect.gather [hbm4b:s19+s23], $0x80, s4, s23, $0xb8;
	[tilespmem:$0x1EA80] =	vst v63  }
0xbe: {  	_ = 	snop  }
0xbf: {  	[tilespmem:s24], [sflag:$0x1] =	stream.indirect.gather [hbm4b:s17+s23], $0x80, s4, s23, $0xb8;
	[tilespmem:$0x1EA80] =	vst v63  }
0xc0: {  	_ = 	snop  }
0xc1: {  	[tilespmem:s25], [sflag:$0x1] =	stream.indirect.gather [hbm4b:s18+s23], $0x80, s23, s23, $0xb8;
	[tilespmem:$0x1EA80] =	vst v63  }
0xc2: {  	v7 =	vmov s4;
	_ =	swait.ge [sflag:s26], $0x2000  }
0xc3: {  	s6 =	simm.s32 $0x3;
	v8 =	vor.u32 $0x80, v7;
	[sflag:s26] =	ssyncset.done $0x0  }
0xc4: {  	v9 =	vmov s6;
	[sflag:s26] =	ssyncadd.s32 $0xFFFFE000  }
0xc5: {  	s7 =	simm.s32 $0x1;
	v10 =	vor.u32 $0x80, v9;
	_ =	swait.ge [sflag:s26], $0x2000  }
0xc6: {  	v11 =	vmov s7;
	[sflag:s26] =	ssyncset.done $0x0  }
0xc7: {  	v12 =	vor.u32 $0x80, v11;
	[sflag:s26] =	ssyncadd.s32 $0xFFFFE000  }
0xc8: {  	s5 =	simm.s32 $0x2;
	s4 =	simm.s32 $0x280;
	v8 =	vld.idx.msk [tilespmem:v8+s2+$0x0], $0xffff  }
0xc9: {  	v13 =	vmov s5;
	v14 =	vld [tilespmem:s4+$0x80]  }
0xca: {  	s5 =	simm.s32 $0x2280;
	v15 =	vor.u32 $0x80, v13;
	v10 =	vld.idx.msk [tilespmem:v10+s2+$0x0], $0xffff  }
0xcb: {  	v16 =	vld [tilespmem:s5+$0x80]  }
0xcc: {  	v12 =	vld.idx.msk [tilespmem:v12+s2+$0x0], $0xffff  }
0xcd: {  	v17 =	vld [tilespmem:s4+$0xFFFFFF80]  }
0xce: {  	s6 =	simm.s32 $0x4;
	v19 =	vld [tilespmem:s5+$0xFFFFFF80]  }
0xcf: {  	v18 =	vmov s6;
	v15 =	vld.idx.msk [tilespmem:v15+s2+$0x0], $0xffff  }
0xd0: {  	v7 =	vshll.u32 v7, $0x7;
	v20 =	vor.u32 $0x80, v18;
	v21 =	vld [tilespmem:s4+$0xFFFFFF00]  }
0xd1: {  	v7 =	vor.u32 $0x10, v7;
	v23 =	vld [tilespmem:s5+$0xFFFFFF00]  }
0xd2: {  	v9 =	vshll.u32 v9, $0x7;
	v25 =	vld [tilespmem:s4+$0x0];
	v14 =	vadd.f32 v16, v14;
	v10 =	vmul.f32 v10, v5  }
0xd3: {  	v9 =	vor.u32 $0x10, v9;
	v26 =	vld [tilespmem:s5+$0x0];
	s4 =	simm.s32 $0x480  }
0xd4: {  	v13 =	vshll.u32 v13, $0x7;
	v49 =	vld [tilespmem:s4+$0xFFFFFF00];
	v10 =	vadd.f32 v10, v14  }
0xd5: {  	v13 =	vor.u32 $0x10, v13;
	v12 =	vmul.f32 v12, v5;
	v17 =	vadd.f32 v19, v17;
	v19 =	vld.idx.msk [tilespmem:v20+s2+$0x0], $0xffff  }
0xd6: {  	v20 =	vld.idx.msk [tilespmem:v7+s24+$0x0], $0xffff;
	v10 =	vmax.f32 v10, $0.0e+00  }
0xd7: {  	s8 =	simm.s32 $0x5;
	v11 =	vshll.u32 v11, $0x7;
	v7 =	vld.idx.msk [tilespmem:v7+s25+$0x0], $0xffff;
	v12 =	vadd.f32 v12, v17;
	v10 =	vmul.f32 v10, v6  }
0xd8: {  	v16 =	vmov s8;
	v8 =	vmul.f32 v8, v5;
	v21 =	vadd.f32 v23, v21;
	v23 =	vld.idx.msk [tilespmem:v9+s24+$0x0], $0xffff  }
0xd9: {  	v15 =	vmul.f32 v15, v5;
	v9 =	vld.idx.msk [tilespmem:v9+s25+$0x0], $0xffff;
	v24 =	vor.u32 $0x80, v16;
	v12 =	vmax.f32 v12, $0.0e+00;
	(xrf2) =	vadd.scan.msk.f32 $0xffff, v10  }
0xda: {  	v17 =	vadd.f32 v26, v25;
	v8 =	vadd.f32 v8, v21;
	v21 =	vld.idx.msk [tilespmem:v13+s24+$0x0], $0xffff;
	v12 =	vmul.f32 v12, v6  }
0xdb: {  	v11 =	vor.u32 $0x10, v11;
	s8 =	simm.s32 $0x7;
	v13 =	vld.idx.msk [tilespmem:v13+s25+$0x0], $0xffff  }
0xdc: {  	v26 =	vld [tilespmem:s4+$0x80];
	v15 =	vadd.f32 v15, v17;
	v17 =	vmov s8;
	s8 =	simm.s32 $0x2480;
	(xrf2) =	vadd.scan.msk.f32 $0xffff, v12  }
0xdd: {  	s7 =	simm.s32 $0x6;
	v31 =	vld [tilespmem:s8+$0x80];
	v12 =	vor.u32 $0x80, v17  }
0xde: {  	v22 =	vmov s7;
	v32 =	vld [tilespmem:s8+$0xFFFFFF00];
	v15 =	vmax.f32 v15, $0.0e+00  }
0xdf: {  	s6 =	simm.s32 $0x9;
	s7 =	simm.s32 $0xA;
	v14 =	vor.u32 $0x80, v22;
	v10 =	vld.idx.msk [tilespmem:v24+s2+$0x0], $0xffff;
	v15 =	vmul.f32 v15, v6  }
0xe0: {  	v18 =	vshll.u32 v18, $0x7;
	v27 =	vmov s6;
	v28 =	vmov s7;
	v24 =	vld.idx.msk [tilespmem:v11+s24+$0x0], $0xffff  }
0xe1: {  	v18 =	vor.u32 $0x10, v18;
	v30 =	vor.u32 $0x80, v27;
	v8 =	vmax.f32 v8, $0.0e+00;
	v11 =	vld.idx.msk [tilespmem:v11+s25+$0x0], $0xffff;
	(xrf2) =	vadd.scan.msk.f32 $0xffff, v15  }
0xe2: {  	s5 =	simm.s32 $0x8;
	v16 =	vshll.u32 v16, $0x7;
	v22 =	vshll.u32 v22, $0x7;
	v8 =	vmul.f32 v8, v6;
	v12 =	vld.idx.msk [tilespmem:v12+s2+$0x0], $0xffff  }
0xe3: {  	v25 =	vmov s5;
	v16 =	vor.u32 $0x10, v16;
	v22 =	vor.u32 $0x10, v22;
	v29, _, _ =	vpop (xrf2)  }
0xe4: {  	v7 =	vadd.f32 v7, v20;
	v14 =	vld.idx.msk [tilespmem:v14+s2+$0x0], $0xffff;
	(xrf2) =	vadd.scan.msk.f32 $0xffff, v8;
	v8 =	vadd.f32 v9, v23;
	v9 =	vbroadcast v29, $0xF  }
0xe5: {  	v19 =	vmul.f32 v19, v5;
	v20 =	vld [tilespmem:s8+$0xFFFFFF80];
	v13 =	vadd.f32 v13, v21;
	v26 =	vadd.f32 v31, v26  }
0xe6: {  	v17 =	vshll.u32 v17, $0x7;
	v21 =	vadd.f32 v32, v49;
	v33, _, _ =	vpop (xrf2);
	v8 =	vadd.f32 v9, v8;
	v9 =	vld [tilespmem:s4+$0xFFFFFF80]  }
0xe7: {  	v11 =	vadd.f32 v11, v24;
	v12 =	vmul.f32 v12, v5;
	v24 =	vbroadcast v33, $0xF  }
0xe8: {  	v34 =	vld [tilespmem:s4+$0x0];
	v15 =	vor.u32 $0x80, v25;
	v17 =	vor.u32 $0x10, v17;
	v10 =	vmul.f32 v10, v5  }
0xe9: {  	v51 =	vld [tilespmem:s8+$0x0];
	v14 =	vmul.f32 v14, v5;
	v19 =	vadd.f32 v19, v21;
	v12 =	vadd.f32 v12, v26  }
0xea: {  	v52 =	vld.idx.msk [tilespmem:v22+s24+$0x0], $0xffff;
	v23 =	vor.u32 $0x80, v28;
	v11 =	vadd.f32 v24, v11;
	v50 =	vmul.f32 $2.000000030e-01, v8  }
0xeb: {  	v22 =	vld.idx.msk [tilespmem:v22+s25+$0x0], $0xffff;
	vm0 =	vge.f32 v8, $0.0e+00;
	v12 =	vmax.f32 v12, $0.0e+00;
	v24, _, _ =	vpop (xrf2);
	v9 =	vadd.f32 v20, v9  }
0xec: {  	v21 =	vld.idx.msk [tilespmem:v18+s24+$0x0], $0xffff;
	v26 =	vmul.f32 $2.000000030e-01, v11;
	v8 =	vsel vm0, v8, v50;
	v24 =	vbroadcast v24, $0xF  }
0xed: {  	v18 =	vld.idx.msk [tilespmem:v18+s25+$0x0], $0xffff;
	v12 =	vmul.f32 v12, v6;
	v8 =	vmul.f32 $1.442695020e+00, v8;
	v9 =	vadd.f32 v10, v9  }
0xee: {  	v15 =	vld.idx.msk [tilespmem:v15+s2+$0x0], $0xffff;
	vm0 =	vge.f32 v11, $0.0e+00;
	v13 =	vadd.f32 v24, v13;
	v10 =	vadd.f32 v51, v34  }
0xef: {  	v24 =	vld.idx.msk [tilespmem:v17+s24+$0x0], $0xffff;
	v20, _, _ =	vpop (xrf2);
	(erf) = vpow2.f32 v8;
	v8 =	vmax.f32 v19, $0.0e+00;
	(xrf2) =	vadd.scan.msk.f32 $0xffff, v12;
	v9 =	vmax.f32 v9, $0.0e+00  }
0xf0: {  	s5 =	simm.s32 $0xB;
	v17 =	vld.idx.msk [tilespmem:v17+s25+$0x0], $0xffff;
	v10 =	vadd.f32 v14, v10;
	v14 =	vmul.f32 v8, v6;
	v8 =	vmul.f32 v9, v6  }
0xf1: {  	v11 =	vsel vm0, v11, v26;
	v12 =	vbroadcast v20, $0xF;
	v20 =	vld.idx.msk [tilespmem:v23+s2+$0x0], $0xffff;
	v23 =	vmov s5  }
0xf2: {  	v22 =	vadd.f32 v22, v52;
	v11 =	vmul.f32 $1.442695020e+00, v11;
	v19 =	vld.idx.msk [tilespmem:v30+s2+$0x0], $0xffff;
	s5 =	simm.s32 $0x680;
	v26 =	vor.u32 $0x80, v23;
	(xrf2) =	vadd.scan.msk.f32 $0xffff, v8  }
0xf3: {  	v21 =	vadd.f32 v18, v21;
	v15 =	vmul.f32 v15, v5;
	v55 =	vld [tilespmem:s5+$0x80];
	v7 =	vadd.f32 v12, v7  }
0xf4: {  	vm0 =	vge.f32 v13, $0.0e+00;
	(erf) = vpow2.f32 v11;
	v59 =	vld [tilespmem:s5+$0x0];
	v9 =	vmul.f32 $2.000000030e-01, v13  }
0xf5: {  	v12 =	vld.idx.msk [tilespmem:v16+s24+$0x0], $0xffff;
	v10 =	vmax.f32 v10, $0.0e+00;
	v17 =	vadd.f32 v17, v24;
	v8 =	vmul.f32 $2.000000030e-01, v7  }
0xf6: {  	s6 =	simm.s32 $0xC;
	v10 =	vmul.f32 v10, v6;
	vm1 =	vge.f32 v7, $0.0e+00;
	v9 =	vsel vm0, v13, v9;
	v13 =	vld.idx.msk [tilespmem:v16+s25+$0x0], $0xffff  }
0xf7: {  	s8 =	simm.s32 $0xE;
	v19 =	vmul.f32 v19, v5;
	v8 =	vsel vm1, v7, v8;
	v7 =	vmov s6;
	v26 =	vld.idx.msk [tilespmem:v26+s2+$0x0], $0xffff;
	s6 =	simm.s32 $0x2680  }
0xf8: {  	s7 =	simm.s32 $0xD;
	v16 =	vmul.f32 $1.442695020e+00, v9;
	v9 =	vmov s8;
	(xrf2) =	vadd.scan.msk.f32 $0xffff, v10;
	v10 =	vshll.u32 v25, $0x7;
	v56 =	vld [tilespmem:s6+$0x80]  }
0xf9: {  	v57 =	vor.u32 $0x80, v9;
	v53 =	vmul.f32 $1.442695020e+00, v8;
	v8 =	vmov s7;
	v58 =	vld [tilespmem:s6+$0xFFFFFF00];
	v11, _, _ =	vpop (xrf2)  }
0xfa: {  	v25 =	vor.u32 $0x10, v10;
	v10 =	vshll.u32 v27, $0x7;
	v60 =	vld [tilespmem:s6+$0x0];
	v24 =	vbroadcast v11, $0xF  }
0xfb: {  	v27 =	vshll.u32 v28, $0x7;
	(erf) = vpow2.f32 v16;
	(xrf2) =	vadd.scan.msk.f32 $0xffff, v14;
	v14 =	vld [tilespmem:s5+$0xFFFFFF00];
	v11 =	vor.u32 $0x10, v10  }
0xfc: {  	v10 =	vor.u32 $0x10, v27;
	v27 =	vmul.f32 v20, v5;
	v20 =	vld [tilespmem:s6+$0xFFFFFF80];
	v17 =	vadd.f32 v24, v17;
	v18, _, _ =	vpop (xrf2)  }
0xfd: {  	v16 =	vor.u32 $0x80, v8;
	v12 =	vadd.f32 v13, v12;
	v24 =	vld [tilespmem:s5+$0xFFFFFF80];
	v13 =	vbroadcast v18, $0xF  }
0xfe: {  	v26 =	vmul.f32 v26, v5;
	v28 =	vadd.f32 v56, v55;
	v18 =	vmul.f32 $2.000000030e-01, v17  }
0xff: {  	(erf) = vpow2.f32 v53;
	vm0 =	vge.f32 v17, $0.0e+00;
	v35 =	vadd.f32 v13, v12  }
0x100: {  	v12 =	vsel vm0, v17, v18;
	v17 =	vadd.f32 v58, v14;
	v14 =	vadd.f32 v26, v28  }
0x101: {  	v54 =	vor.u32 $0x80, v7;
	v63 =	vadd.f32 v60, v59;
	v12 =	vmul.f32 $1.442695020e+00, v12  }
0x102: {  	v20 =	vadd.f32 v20, v24;
	v13, _, _ =	vpop (xrf2);
	vm0 =	vge.f32 v35, $0.0e+00;
	v24 =	vmax.f32 v14, $0.0e+00  }
0x103: {  	v15 =	vadd.f32 v15, v17;
	v18 =	vbroadcast v13, $0xF;
	v13 =	vpop (erf);
	(erf) = vpow2.f32 v12  }
0x104: {  	s4 =	simm.s32 $0x6280;
	v16 =	vld.idx.msk [tilespmem:v16+s2+$0x0], $0xffff;
	v26 =	vmul.f32 $2.000000030e-01, v35;
	v17 =	vshll.u32 v23, $0x7;
	v24 =	vmul.f32 v24, v6  }
0x105: {  	v62 =	vadd.f32 v19, v20;
	v23, _, _ =	vpop (xrf2);
	v12 =	vld.idx.msk [tilespmem:v25+s24+$0x0], $0xffff;
	v19 =	vor.u32 $0x10, v17;
	[tilespmem:s4+$0x80] =	vst v13;
	v15 =	vmax.f32 v15, $0.0e+00  }
0x106: {  	v61 =	vpop (erf);
	v13 =	vld.idx.msk [tilespmem:v25+s25+$0x0], $0xffff;
	v23 =	vbroadcast v23, $0xF;
	v25 =	vadd.f32 v27, v63;
	v20 =	vadd.f32 v18, v22;
	(xrf2) =	vadd.scan.msk.f32 $0xffff, v24  }
0x107: {  	v14 =	vld.idx.msk [tilespmem:v54+s2+$0x0], $0xffff;
	[tilespmem:s4+$0xFFFFFF80] =	vst v61;
	v17 =	vpop (erf);
	v18 =	vmul.f32 v15, v6;
	v15 =	vmax.f32 v62, $0.0e+00;
	v24 =	vsel vm0, v35, v26  }
0x108: {  	[tilespmem:s4+$0x0] =	vst v17;
	v17 =	vpop (erf);
	v22 =	vmul.f32 v15, v6;
	v21 =	vadd.f32 v23, v21;
	v15 =	vld.idx.msk [tilespmem:v11+s24+$0x0], $0xffff  }
0x109: {  	s8 =	simm.s32 $0xF;
	s7 =	simm.s32 $0x10;
	v25 =	vmax.f32 v25, $0.0e+00;
	[tilespmem:s4+$0xFFFFFF00] =	vst v17;
	v17 =	vld.idx.msk [tilespmem:v57+s2+$0x0], $0xffff;
	v23 =	vmul.f32 $2.000000030e-01, v20;
	vm0 =	vge.f32 v20, $0.0e+00  }
.LBB2_8:
0x10a: {  	p0 =	slt.u32 s7, $0x3C;
	v26 =	vmov s8;
	v25 =	vmul.f32 v25, v6;
	v27 =	vld.idx.msk [tilespmem:v19+s24+$0x0], $0xffff;
	(xrf2) =	vadd.scan.msk.f32 $0xffff, v22;
	v29 =	vmul.f32 $2.000000030e-01, v21  }
0x10b: {  	vm1 =	vge.f32 v21, $0.0e+00;
	v20 =	vsel vm0, v20, v23;
	v28 =	vor.u32 $0x80, v26;
	v19 =	vld.idx.msk [tilespmem:v19+s25+$0x0], $0xffff  }
0x10c: {  	s4 =	sadd.s32 $0x200, s4;
	v20 =	vmul.f32 $1.442695020e+00, v20;
	v23 =	vld.idx.msk [tilespmem:v11+s25+$0x0], $0xffff;
	v11 =	vsel vm1, v21, v29;
	v21 =	vmul.f32 $1.442695020e+00, v24;
	v22 =	vpop (erf)  }
0x10d: {  	s8 =	sadd.s32 $0x1, s7;
	v24 =	vmov s7;
	v29 =	vld.idx.msk [tilespmem:v10+s24+$0x0], $0xffff;
	(xrf2) =	vadd.scan.msk.f32 $0xffff, v25;
	v25 =	vmul.f32 $1.442695020e+00, v11;
	[tilespmem:s4+$0x80] =	vst v22  }
0x10e: {  	v30 =	vshll.u32 v7, $0x7;
	s5 =	sadd.s32 $0x200, s5;
	v22 =	vor.u32 $0x80, v24;
	v11 =	vmov s8;
	s8 =	sadd.s32 $0x2, s7;
	v7 =	vmovc v24;
	v31 =	vld.idx.msk [tilespmem:v10+s25+$0x0], $0xffff  }
0x10f: {  	v24 =	vor.u32 $0x10, v30;
	v10 =	vmov s8;
	v30 =	vld [tilespmem:s5+$0x80];
	(erf) = vpow2.f32 v21  }
0x110: {  	v32 =	vshll.u32 v9, $0x7;
	s6 =	sadd.s32 $0x200, s6;
	v21 =	vshll.u32 v8, $0x7;
	v28 =	vld.idx.msk [tilespmem:v28+s2+$0x0], $0xffff;
	(xrf2) =	vadd.scan.msk.f32 $0xffff, v18;
	v8, _, _ =	vpop (xrf2);
	(erf) = vpow2.f32 v20  }
0x111: {  	v9 =	vmovc v10;
	v18 =	vor.u32 $0x80, v11;
	v19 =	vadd.f32 v19, v27;
	v20 =	vld [tilespmem:s6+$0x80];
	v27 =	vbroadcast v8, $0xF;
	v8 =	vmovc v11  }
0x112: {  	v33 =	vor.u32 $0x80, v9;
	v11 =	vor.u32 $0x10, v21;
	v34 =	vld [tilespmem:s5+$0xFFFFFF00];
	(erf) = vpow2.f32 v25  }
0x113: {  	v10 =	vor.u32 $0x10, v32;
	v25 =	vmul.f32 v14, v5;
	v21 =	vld [tilespmem:s6+$0xFFFFFF00];
	v14 =	vadd.f32 v27, v19  }
0x114: {  	v16 =	vmul.f32 v16, v5;
	v17 =	vmul.f32 v17, v5;
	v27 =	vadd.f32 v13, v12;
	v19 =	vld [tilespmem:s5+$0xFFFFFF80];
	v12, _, _ =	vpop (xrf2)  }
0x115: {  	v15 =	vadd.f32 v23, v15;
	v13 =	vld [tilespmem:s6+$0xFFFFFF80];
	v12 =	vbroadcast v12, $0xF;
	v36 =	vmul.f32 $2.000000030e-01, v14  }
0x116: {  	v28 =	vmul.f32 v28, v5;
	vm0 =	vge.f32 v14, $0.0e+00;
	v32 =	vld [tilespmem:s5+$0x0];
	v20 =	vadd.f32 v20, v30  }
0x117: {  	v30 =	vld [tilespmem:s6+$0x0];
	v35 =	vadd.f32 v12, v15;
	v15 =	vadd.f32 v31, v29;
	v12 =	vsel vm0, v14, v36;
	v14, _, _ =	vpop (xrf2)  }
0x118: {  	v21 =	vadd.f32 v21, v34;
	v31 =	vadd.f32 v28, v20;
	v12 =	vmul.f32 $1.442695020e+00, v12;
	v23 =	vpop (erf)  }
0x119: {  	v29 =	vbroadcast v14, $0xF;
	vm0 =	vge.f32 v35, $0.0e+00;
	v28 =	vmul.f32 $2.000000030e-01, v35;
	[tilespmem:s4+$0xFFFFFF80] =	vst v23;
	v14 =	vpop (erf)  }
0x11a: {  	v13 =	vadd.f32 v13, v19;
	v19 =	vmax.f32 v31, $0.0e+00;
	v20, _, _ =	vpop (xrf2);
	(erf) = vpow2.f32 v12;
	[tilespmem:s4+$0x0] =	vst v14  }
0x11b: {  	v21 =	vadd.f32 v25, v21;
	v14 =	vld.idx.msk [tilespmem:v22+s2+$0x0], $0xffff;
	v22 =	vmul.f32 v19, v6;
	v19 =	vshll.u32 v26, $0x7;
	v23 =	vpop (erf)  }
.Ltmp7:
0x11c: {  	v12 =	vld.idx.msk [tilespmem:v24+s24+$0x0], $0xffff;
	v25 =	vadd.f32 v16, v13;
	v26 =	vadd.f32 v30, v32;
	v19 =	vor.u32 $0x10, v19;
	[tilespmem:s4+$0xFFFFFF00] =	vst v23;
	(pc) =	sbr.rel @p0 .LBB2_8-.Ltmp7, $4  }
0x11d: {  	v21 =	vmax.f32 v21, $0.0e+00;
	v23 =	vbroadcast v20, $0xF;
	v20 =	vadd.f32 v29, v15;
	v13 =	vld.idx.msk [tilespmem:v24+s25+$0x0], $0xffff;
	(xrf2) =	vadd.scan.msk.f32 $0xffff, v22  }
0x11e: {  	v16 =	vld.idx.msk [tilespmem:v18+s2+$0x0], $0xffff;
	v18 =	vmul.f32 v21, v6;
	v15 =	vmax.f32 v25, $0.0e+00;
	v24 =	vadd.f32 v17, v26  }
0x11f: {  	v21 =	vadd.f32 v23, v27;
	v23 =	vmul.f32 $2.000000030e-01, v20;
	v17 =	vld.idx.msk [tilespmem:v33+s2+$0x0], $0xffff;
	v22 =	vmul.f32 v15, v6  }
0x120: {  	s8 =	sadd.s32 $0x3, s7;
	s7 =	sadd.s32 $0x4, s7;
	v15 =	vld.idx.msk [tilespmem:v11+s24+$0x0], $0xffff;
	v25 =	vmax.f32 v24, $0.0e+00;
	v24 =	vsel vm0, v35, v28;
	vm0 =	vge.f32 v20, $0.0e+00  }
0x121: {  	_ =	sdelay $0x3  }
0x122: {  	v26 =	vmov s8;
	v28 =	vld.idx.msk [tilespmem:v19+s24+$0x0], $0xffff  }
0x123: {  	v19 =	vld.idx.msk [tilespmem:v19+s25+$0x0], $0xffff;
	s5 =	sadd.s32 $0x200, s5;
	v27 =	vor.u32 $0x80, v26  }
0x124: {  	s6 =	sadd.s32 $0x200, s6;
	v29 =	vld [tilespmem:s5+$0x80]  }
0x125: {  	v30 =	vld [tilespmem:s6+$0x80]  }
0x126: {  	v31 =	vld [tilespmem:s5+$0xFFFFFF00]  }
0x127: {  	v33 =	vld [tilespmem:s5+$0xFFFFFF80]  }
0x128: {  	v27 =	vld.idx.msk [tilespmem:v27+s2+$0x0], $0xffff  }
0x129: {  	v20 =	vsel vm0, v20, v23;
	v23 =	vmul.f32 $1.442695020e+00, v24;
	v59 =	vld [tilespmem:s6+$0xFFFFFF80]  }
0x12a: {  	v32 =	vmul.f32 $2.000000030e-01, v21;
	vm8 =	vge.f32 v21, $0.0e+00;
	v20 =	vmul.f32 $1.442695020e+00, v20;
	v60 =	vld [tilespmem:s5+$0x0]  }
0x12b: {  	v25 =	vmul.f32 v25, v6;
	v7 =	vshll.u32 v7, $0x7;
	v61 =	vld [tilespmem:s6+$0x0];
	(erf) = vpow2.f32 v23  }
0x12c: {  	(xrf2) =	vadd.scan.msk.f32 $0xffff, v22;
	v8 =	vshll.u32 v8, $0x7;
	v9 =	vshll.u32 v9, $0x7;
	(erf) = vpow2.f32 v20;
	v20 =	vld [tilespmem:s6+$0xFFFFFF00]  }
0x12d: {  	v14 =	vmul.f32 v14, v5;
	(xrf2) =	vadd.scan.msk.f32 $0xffff, v25;
	v22 =	vadd.f32 v30, v29;
	v23 =	vmul.f32 v27, v5  }
0x12e: {  	v7 =	vor.u32 $0x10, v7;
	v21 =	vsel vm8, v21, v32;
	v16 =	vmul.f32 v16, v5;
	(xrf2) =	vadd.scan.msk.f32 $0xffff, v18  }
0x12f: {  	v18 =	vmul.f32 $1.442695020e+00, v21;
	v21 =	vadd.f32 v23, v22;
	v23 =	vadd.f32 v59, v33  }
0x130: {  	v8 =	vor.u32 $0x10, v8;
	v17 =	vmul.f32 v17, v5;
	v62 =	vadd.f32 v61, v60  }
0x131: {  	v11 =	vld.idx.msk [tilespmem:v11+s25+$0x0], $0xffff;
	v20 =	vadd.f32 v20, v31;
	v21 =	vmax.f32 v21, $0.0e+00;
	v16 =	vadd.f32 v16, v23  }
0x132: {  	v63 =	vld.idx.msk [tilespmem:v10+s24+$0x0], $0xffff;
	v9 =	vor.u32 $0x10, v9;
	v19 =	vadd.f32 v19, v28;
	v21 =	vmul.f32 v21, v6  }
0x133: {  	v10 =	vld.idx.msk [tilespmem:v10+s25+$0x0], $0xffff;
	v17 =	vadd.f32 v17, v62;
	v14 =	vadd.f32 v14, v20;
	v22, _, _ =	vpop (xrf2);
	v16 =	vmax.f32 v16, $0.0e+00  }
0x134: {  	v20 =	vshll.u32 v26, $0x7;
	v22 =	vbroadcast v22, $0xF;
	v16 =	vmul.f32 v16, v6  }
0x135: {  	v12 =	vadd.f32 v13, v12;
	v17 =	vmax.f32 v17, $0.0e+00;
	v20 =	vor.u32 $0x10, v20;
	(xrf2) =	vadd.scan.msk.f32 $0xffff, v21  }
0x136: {  	v17 =	vmul.f32 v17, v6;
	v14 =	vmax.f32 v14, $0.0e+00;
	v19 =	vadd.f32 v22, v19;
	v21, _, _ =	vpop (xrf2)  }
0x137: {  	v11 =	vadd.f32 v11, v15;
	v14 =	vmul.f32 v14, v6;
	(xrf2) =	vadd.scan.msk.f32 $0xffff, v16;
	v15 =	vbroadcast v21, $0xF;
	v21, _, _ =	vpop (xrf2)  }
0x138: {  	v10 =	vadd.f32 v10, v63;
	v22 =	vld.idx.msk [tilespmem:v7+s24+$0x0], $0xffff;
	(xrf2) =	vadd.scan.msk.f32 $0xffff, v17;
	v17 =	vmul.f32 $2.000000030e-01, v19;
	v13 =	vbroadcast v21, $0xF;
	v16, _, _ =	vpop (xrf2)  }
0x139: {  	v7 =	vld.idx.msk [tilespmem:v7+s25+$0x0], $0xffff;
	vm9 =	vge.f32 v19, $0.0e+00;
	v11 =	vadd.f32 v15, v11;
	v15 =	vbroadcast v16, $0xF  }
0x13a: {  	(xrf2) =	vadd.scan.msk.f32 $0xffff, v14;
	v14 =	vsel vm9, v19, v17;
	v10 =	vadd.f32 v13, v10;
	v13 =	vld.idx.msk [tilespmem:v20+s24+$0x0], $0xffff  }
0x13b: {  	v14 =	vmul.f32 $1.442695020e+00, v14;
	v17 =	vmul.f32 $2.000000030e-01, v11;
	v12 =	vadd.f32 v15, v12;
	v15 =	vld.idx.msk [tilespmem:v20+s25+$0x0], $0xffff  }
0x13c: {  	(erf) = vpow2.f32 v18;
	v16 =	vld.idx.msk [tilespmem:v8+s24+$0x0], $0xffff;
	vm10 =	vge.f32 v11, $0.0e+00;
	v18 =	vmul.f32 $2.000000030e-01, v10  }
0x13d: {  	v8 =	vld.idx.msk [tilespmem:v8+s25+$0x0], $0xffff;
	vm11 =	vge.f32 v10, $0.0e+00;
	v11 =	vsel vm10, v11, v17  }
0x13e: {  	v19 =	vld.idx.msk [tilespmem:v9+s24+$0x0], $0xffff;
	v10 =	vsel vm11, v10, v18;
	v11 =	vmul.f32 $1.442695020e+00, v11  }
0x13f: {  	v9 =	vld.idx.msk [tilespmem:v9+s25+$0x0], $0xffff;
	(erf) = vpow2.f32 v14;
	v14, _, _ =	vpop (xrf2);
	v10 =	vmul.f32 $1.442695020e+00, v10  }
0x140: {  	(erf) = vpow2.f32 v11;
	v11 =	vadd.f32 v15, v13;
	v13 =	vbroadcast v14, $0xF;
	_ =	sdelay $0x1  }
0x141: {  	v7 =	vadd.f32 v7, v22;
	v17 =	vmul.f32 $2.000000030e-01, v12;
	vm1 =	vge.f32 v12, $0.0e+00  }
0x142: {  	v8 =	vadd.f32 v8, v16;
	(erf) = vpow2.f32 v10;
	v11 =	vadd.f32 v13, v11;
	v10, _, _ =	vpop (xrf2)  }
0x143: {  	v9 =	vadd.f32 v9, v19;
	v12 =	vsel vm1, v12, v17;
	v10 =	vbroadcast v10, $0xF;
	v13, _, _ =	vpop (xrf2)  }
0x144: {  	v12 =	vmul.f32 $1.442695020e+00, v12;
	v15 =	vmul.f32 $2.000000030e-01, v11;
	vm12 =	vge.f32 v11, $0.0e+00;
	v14, _, _ =	vpop (xrf2)  }
0x145: {  	v13 =	vbroadcast v13, $0xF;
	v8 =	vadd.f32 v10, v8;
	v10 =	vbroadcast v14, $0xF  }
0x146: {  	(erf) = vpow2.f32 v12;
	v11 =	vsel vm12, v11, v15  }
0x147: {  	v9 =	vadd.f32 v13, v9;
	v12 =	vmul.f32 $2.000000030e-01, v8;
	v7 =	vadd.f32 v10, v7  }
0x148: {  	v10 =	vmul.f32 $1.442695020e+00, v11;
	vm13 =	vge.f32 v8, $0.0e+00  }
0x149: {  	v11 =	vmul.f32 $2.000000030e-01, v9;
	v8 =	vsel vm13, v8, v12;
	v12 =	vmul.f32 $2.000000030e-01, v7  }
0x14a: {  	vm14 =	vge.f32 v9, $0.0e+00;
	vm15 =	vge.f32 v7, $0.0e+00;
	v8 =	vmul.f32 $1.442695020e+00, v8  }
0x14b: {  	(erf) = vpow2.f32 v10;
	v9 =	vsel vm14, v9, v11;
	v7 =	vsel vm15, v7, v12  }
0x14c: {  	v9 =	vmul.f32 $1.442695020e+00, v9;
	v7 =	vmul.f32 $1.442695020e+00, v7  }
0x14d: {  	s4 =	sadd.s32 $0x200, s4;
	v10 =	vpop (erf);
	(erf) = vpow2.f32 v8  }
0x14e: {  	[tilespmem:s4+$0x80] =	vst v10;
	v8 =	vpop (erf);
	(erf) = vpow2.f32 v9  }
0x14f: {  	[tilespmem:s4+$0xFFFFFF80] =	vst v8;
	v8 =	vpop (erf);
	(erf) = vpow2.f32 v7  }
0x150: {  	v7 =	vpop (erf);
	[tilespmem:s4+$0x0] =	vst v8  }
0x151: {  	v8 =	vpop (erf);
	[tilespmem:s4+$0xFFFFFF00] =	vst v7;
	s4 =	sadd.s32 $0x200, s4  }
0x152: {  	v7 =	vpop (erf);
	[tilespmem:s4+$0x80] =	vst v8  }
0x153: {  	v8 =	vpop (erf);
	[tilespmem:s4+$0xFFFFFF80] =	vst v7  }
0x154: {  	v7 =	vpop (erf);
	[tilespmem:s4+$0x0] =	vst v8  }
0x155: {  	v8 =	vpop (erf);
	[tilespmem:s4+$0xFFFFFF00] =	vst v7;
	s4 =	sadd.s32 $0x200, s4  }
0x156: {  	[tilespmem:s4+$0x80] =	vst v8;
	v7 =	vpop (erf)  }
0x157: {  	[tilespmem:s4+$0xFFFFFF80] =	vst v7;
	v7 =	vpop (erf)  }
0x158: {  	[tilespmem:s4+$0x0] =	vst v7;
	v7 =	vpop (erf)  }
0x159: {  	[tilespmem:s4+$0xFFFFFF00] =	vst v7  }
0x15a: {  	_ =	swait.ge [sflag:s28], $0x2000  }
0x15b: {  	[sflag:s28] =	ssyncset.done $0x0  }
0x15c: {  	[sflag:s28] =	ssyncadd.s32 $0xFFFFE000  }
0x15d: {  	v7 =	vld [tilespmem:$0x40]  }
0x15e: {  	v8 =	vld [tilespmem:$0x50]  }
0x15f: {  	v9 =	vld [tilespmem:$0x60]  }
0x160: {  	p0 =	sgt.u32 s0, $0x9A3;
	v10 =	vld [tilespmem:$0x70]  }
0x161: {  	s0 =	smul.u32 @!p0 $0xC0, s0  }
0x162: {  	[tilespmem:$0x100] =	vst v7  }
0x163: {  	s0 =	sshrl.u32 @!p0 s0, $0x3;
	[tilespmem:$0x110] =	vst v8  }
0x164: {  	s0 =	sadd.s32 @!p0 s1, s0;
	[tilespmem:$0x120] =	vst v9  }
0x165: {  	s8 =	simm.s32 $0x6200;
	s0 =	sadd.s32 @!p0 $0x300, s0;
	s4 =	simm.s32 @!p0 $0x0;
	[tilespmem:$0x130] =	vst v10  }
0x166: {  	[tilespmem:s4], [sflag:$0x3] =	stream.linear.gather @!p0 [hbm4b:s0+s4], $0xC0, $0x38;
	[tilespmem:$0x1EA80] =	vst v63  }
0x167: {  	s0 =	simm.s32 $0x4200;
	v12 =	vld [tilespmem:s8+$0x0]  }
0x168: {  	v8 =	vld [tilespmem:s0+$0x70]  }
0x169: {  	v13 =	vld [tilespmem:s0+$0xFFFFFF80]  }
0x16a: {  	v14 =	vld [tilespmem:s0+$0xFFFFFF90]  }
0x16b: {  	v15 =	vld [tilespmem:s0+$0xFFFFFFA0]  }
0x16c: {  	v9 =	vld [tilespmem:s0+$0xFFFFFFB0]  }
0x16d: {  	v7 =	vld [tilespmem:s0+$0xFFFFFFC0]  }
0x16e: {  	v10 =	vld [tilespmem:s0+$0xFFFFFFE0]  }
0x16f: {  	v16 =	vld [tilespmem:s0+$0x0]  }
0x170: {  	v21 =	vld [tilespmem:s0+$0x10]  }
0x171: {  	v22 =	vld [tilespmem:s0+$0x20]  }
0x172: {  	v20 =	vld [tilespmem:s0+$0x30]  }
0x173: {  	v18 =	vld [tilespmem:s0+$0x40]  }
0x174: {  	v19 =	vld [tilespmem:s0+$0x50]  }
0x175: {  	v17 =	vld [tilespmem:s0+$0x60];
	v11 =	vmul.f32 v8, v12  }
0x176: {  	v8 =	vld [tilespmem:s0+$0xFFFFFFD0];
	v23 =	vmul.f32 v16, v12  }
0x177: {  	v21 =	vmul.f32 v21, v12;
	v16 =	vld [tilespmem:s8+$0xFFFFFF80];
	[tilespmem:s0+$0x70] =	vst v11  }
0x178: {  	s5 =	simm.s32 $0x6300;
	s6 =	simm.s32 $0x4200;
	s4 =	simm.s32 $0x0;
	v22 =	vmul.f32 v22, v12;
	v11 =	vld [tilespmem:s0+$0xFFFFFFF0];
	[tilespmem:s0+$0x0] =	vst v23  }
.LBB2_10:
0x179: {  	v23 =	vld [tilespmem:s5+$0x0];
	[tilespmem:s0+$0x10] =	vst v21;
	v20 =	vmul.f32 v20, v12;
	s6 =	sadd.s32 $0x100, s6  }
0x17a: {  	s4 =	sadd.s32 $0x2, s4;
	v21 =	vld [tilespmem:s6+$0x70];
	[tilespmem:s0+$0x20] =	vst v22;
	v18 =	vmul.f32 v18, v12  }
0x17b: {  	p0 =	slt.u32 s4, $0x3E;
	v22 =	vld [tilespmem:s6+$0xFFFFFF80];
	[tilespmem:s0+$0x30] =	vst v20;
	v19 =	vmul.f32 v19, v12  }
0x17c: {  	v20 =	vld [tilespmem:s6+$0xFFFFFF90];
	[tilespmem:s0+$0x40] =	vst v18;
	v24 =	vmul.f32 v17, v12  }
0x17d: {  	v17 =	vld [tilespmem:s6+$0xFFFFFFA0];
	v25 =	vmul.f32 v13, v16;
	v14 =	vmul.f32 v14, v16;
	[tilespmem:s0+$0x50] =	vst v19  }
0x17e: {  	v15 =	vmul.f32 v15, v16;
	v18 =	vmul.f32 v9, v16;
	v9 =	vld [tilespmem:s6+$0xFFFFFFB0];
	[tilespmem:s0+$0x60] =	vst v24;
	v12 =	vmov v23  }
0x17f: {  	v19 =	vmul.f32 v21, v12;
	[tilespmem:s0+$0xFFFFFF80] =	vst v25;
	v21 =	vmul.f32 v7, v16;
	v7 =	vld [tilespmem:s6+$0xFFFFFFC0]  }
0x180: {  	v23 =	vmul.f32 v8, v16;
	v24 =	vmul.f32 v10, v16;
	[tilespmem:s0+$0xFFFFFF90] =	vst v14;
	v8 =	vld [tilespmem:s6+$0xFFFFFFD0];
	v13 =	vmov v22  }
0x181: {  	v16 =	vmul.f32 v11, v16;
	v10 =	vld [tilespmem:s6+$0xFFFFFFE0];
	[tilespmem:s6+$0x70] =	vst v19;
	v14 =	vmov v20  }
0x182: {  	v11 =	vld [tilespmem:s6+$0xFFFFFFF0];
	[tilespmem:s0+$0xFFFFFFA0] =	vst v15;
	v15 =	vmov v17  }
0x183: {  	v17 =	vld [tilespmem:s6+$0x0];
	[tilespmem:s0+$0xFFFFFFB0] =	vst v18  }
0x184: {  	v22 =	vld [tilespmem:s6+$0x10];
	[tilespmem:s0+$0xFFFFFFC0] =	vst v21  }
0x185: {  	v25 =	vld [tilespmem:s6+$0x20];
	[tilespmem:s0+$0xFFFFFFD0] =	vst v23  }
.Ltmp8:
0x186: {  	v20 =	vld [tilespmem:s6+$0x30];
	[tilespmem:s0+$0xFFFFFFE0] =	vst v24;
	(pc) =	sbr.rel @p0 .LBB2_10-.Ltmp8, $4  }
0x187: {  	v18 =	vld [tilespmem:s6+$0x40];
	[tilespmem:s0+$0xFFFFFFF0] =	vst v16;
	s0 =	smov.u32 s6  }
0x188: {  	v23 =	vmul.f32 v17, v12;
	v19 =	vld [tilespmem:s6+$0x50]  }
0x189: {  	v21 =	vmul.f32 v22, v12;
	v17 =	vld [tilespmem:s6+$0x60]  }
0x18a: {  	v16 =	vld [tilespmem:s5+$0xFFFFFF80];
	[tilespmem:s6+$0x0] =	vst v23;
	v22 =	vmul.f32 v25, v12;
	s5 =	sadd.s32 $0x100, s5  }
0x18b: {  	[tilespmem:s0+$0x10] =	vst v21;
	v20 =	vmul.f32 v20, v12  }
0x18c: {  	[tilespmem:s0+$0x20] =	vst v22;
	v18 =	vmul.f32 v18, v12  }
0x18d: {  	[tilespmem:s0+$0x30] =	vst v20;
	v19 =	vmul.f32 v19, v12  }
0x18e: {  	[tilespmem:s0+$0x40] =	vst v18;
	v61 =	vmul.f32 v17, v12  }
0x18f: {  	v13 =	vmul.f32 v13, v16;
	[tilespmem:s0+$0x50] =	vst v19  }
0x190: {  	v14 =	vmul.f32 v14, v16;
	[tilespmem:s0+$0x60] =	vst v61  }
0x191: {  	v62 =	vmul.f32 v15, v16;
	[tilespmem:s0+$0xFFFFFF80] =	vst v13  }
0x192: {  	v9 =	vmul.f32 v9, v16;
	[tilespmem:s0+$0xFFFFFF90] =	vst v14  }
0x193: {  	v7 =	vmul.f32 v7, v16;
	[tilespmem:s0+$0xFFFFFFA0] =	vst v62  }
0x194: {  	v8 =	vmul.f32 v8, v16;
	[tilespmem:s0+$0xFFFFFFB0] =	vst v9  }
0x195: {  	v63 =	vmul.f32 v10, v16;
	[tilespmem:s0+$0xFFFFFFC0] =	vst v7  }
0x196: {  	v7 =	vmul.f32 v11, v16;
	[tilespmem:s0+$0xFFFFFFD0] =	vst v8  }
0x197: {  	[tilespmem:s0+$0xFFFFFFE0] =	vst v63  }
0x198: {  	[tilespmem:s0+$0xFFFFFFF0] =	vst v7  }
0x199: {  	[spmem:s15] =	stream.indirect.scatter.add.f32 [tilespmem:s20], [sflag:$0x1], $0x80, s29, s23, $0xb8;
	[tilespmem:$0x1EA80] =	vst v63  }
0x19a: {  	v7 =	vld [tilespmem:$0x100];
	_ =	sdelay $0x2  }
0x19b: {  	v8 =	vld.idx.msk [tilespmem:v0+s30+$0x0], $0xffff;
	_ =	sdelay $0x4  }
0x19c: {  	[tilespmem:v7+s31+$0x0] =	vst.idx.add.f32.msk $0xffff, v8  }
0x19d: {  	v7 =	vld [tilespmem:$0x110];
	_ =	sdelay $0x2  }
0x19e: {  	v8 =	vld.idx.msk [tilespmem:v2+s30+$0x0], $0xffff;
	_ =	sdelay $0x4  }
0x19f: {  	[tilespmem:v7+s31+$0x0] =	vst.idx.add.f32.msk $0xffff, v8  }
0x1a0: {  	v7 =	vld [tilespmem:$0x120];
	_ =	sdelay $0x2  }
0x1a1: {  	v8 =	vld.idx.msk [tilespmem:v3+s30+$0x0], $0xffff;
	_ =	sdelay $0x4  }
0x1a2: {  	[tilespmem:v7+s31+$0x0] =	vst.idx.add.f32.msk $0xffff, v8  }
0x1a3: {  	v7 =	vld [tilespmem:$0x130];
	_ =	sdelay $0x2  }
0x1a4: {  	v8 =	vld.idx.msk [tilespmem:v4+s30+$0x0], $0xffff;
	_ =	sdelay $0x3  }
.Ltmp9:
0x1a5: {  	_ = 	snop;
	(pc) =	sbr.rel .LBB2_12-.Ltmp9, $4  }
0x1a6: {  	[tilespmem:v7+s31+$0x0] =	vst.idx.add.f32.msk $0xffff, v8  }
0x1a7: {  	_ =	swait.ge [sflag:s26], $0x2000  }
0x1a8: {  	[sflag:s26] =	ssyncset.done $0x0  }
0x1a9: {  	[sflag:s26] =	ssyncadd.s32 $0xFFFFE000  }
.LBB2_14:
0x1aa: {  	_ =	sfence.sel $0x180000  }
0x1ab: {  	[bflag:$0x0] =	sbarrier.arrive $0xFFFF  }
0x1ac: {  	_ =	strace $0x90000047  }
0x1ad: {  	s0 =	stileid.u32;
	[bflag:$0x2] =	sbarrier.arrive $0xFFFF  }
0x1ae: {  	p0 =	sne.s32 s0, $0x0;
	s0 =	rddreg [dreg:$0x4]  }
0x1af: {  	s0 =	sadd.s32 @!p0 $0x100000, s0  }
0x1b0: {  	[sflag:s0] =	ssyncadd.tile.s32 @!p0 $0x1;
	_ =	shalt  }
.Lfunc_end2:
_tile_overlayer_lowered:
.L_overlay_start_2:
0x1b1: {  	(tag) =	ssettag $0x2  }
0x1b2: {  	s0 =	rddreg [dreg:$0x0];
	s2 =	stileid.u32  }
0x1b3: {  	s1 =	rddreg [dreg:$0x1];
	p0 =	sne.s32 s2, $0x0  }
0x1b4: {  	s3 =	rddreg [dreg:$0x2];
	[bflag:$0x3] =	sbarrier.arrive $0xFFFF;
	s2 =	simm.s32 @!p0 $0x1C04  }
0x1b5: {  	[timem:s3], [sflag:s2] =	dma.local @!p0 [hbm:s0], s1  }
0x1b6: {  	s0 =	simm.s32 @!p0 $0x4  }
0x1b7: {  	_ =	swait.ge @!p0 [sflag:s0], s1  }
0x1b8: {  	s1 =	ssub.s32 @!p0 $0x0, s1;
	[sflag:s0] =	ssyncset.done @!p0 $0x0  }
0x1b9: {  	[sflag:s0] =	ssyncadd.s32 @!p0 s1  }
0x1ba: {  	[bflag:$0x3] =	sbarrier.arrive $0xFFFF  }
0x1bb: {  	_ =	shalt  }

</sc_bundles>
